<compile_context>
chip_gen: v7x
topology: tpu7x:2x2x1
jax: 0.10.2.dev20260603
libtpu: 0.0.44.dev20260713+nightly
codegen_flags: <defaults>
</compile_context>

<pallas_src>
import functools

import jax
import jax.numpy as jnp
from jax import lax
from jax.experimental import pallas as pl
from jax.experimental.pallas import tpu as pltpu
from jax.experimental.pallas import tpu_sc as plsc

IN_DIM = 100000
OUT_DIM = 128
L = 16384

NC = 2
NS = 16
NW = NC * NS
B_PER_W = L // NW
CHUNK = 64
NCHUNK = B_PER_W // CHUNK
LANES = 16
NVEC = OUT_DIM // LANES


def _sc_partial_sums(x, weight):
    mesh = plsc.VectorSubcoreMesh(core_axis_name="c", subcore_axis_name="s")

    @functools.partial(
        pl.kernel,
        out_type=jax.ShapeDtypeStruct((NW, OUT_DIM), jnp.float32),
        mesh=mesh,
        scratch_types=[
            pltpu.VMEM((B_PER_W,), jnp.int32),
            pltpu.VMEM((NCHUNK, CHUNK, OUT_DIM), jnp.float32),
            pltpu.VMEM((OUT_DIM,), jnp.float32),
        ] + [pltpu.SemaphoreType.DMA] * (2 * NCHUNK),
        compiler_params=pltpu.CompilerParams(skip_device_barrier=True),
    )
    def body(x_hbm, w_hbm, out_hbm, idx_v, rows_v, acc_v, *sems):
        wid = lax.axis_index("s") * NC + lax.axis_index("c")
        base = wid * B_PER_W

        idx_copies = []
        for k in range(NCHUNK):
            idx_copies.append(
                pltpu.async_copy(
                    x_hbm.at[pl.ds(base + k * CHUNK, CHUNK)],
                    idx_v.at[pl.ds(k * CHUNK, CHUNK)],
                    sems[NCHUNK + k],
                )
            )
        copies = []
        for k in range(NCHUNK):
            idx_copies[k].wait()
            copies.append(
                pltpu.async_copy(
                    w_hbm.at[idx_v.at[pl.ds(k * CHUNK, CHUNK)]],
                    rows_v.at[k],
                    sems[k],
                )
            )

        accs = tuple(jnp.zeros((LANES,), jnp.float32) for _ in range(NVEC))
        for k in range(NCHUNK):
            copies[k].wait()

            def row_step(r, carry, k=k):
                return tuple(
                    carry[c] + rows_v[k, r, pl.ds(c * LANES, LANES)]
                    for c in range(NVEC)
                )

            accs = lax.fori_loop(0, CHUNK, row_step, accs)

        for c in range(NVEC):
            acc_v[pl.ds(c * LANES, LANES)] = accs[c]
        pltpu.sync_copy(acc_v, out_hbm.at[wid])

    return body(x, weight)


def _tc_mean(partials):
    def body(p_ref, o_ref):
        o_ref[...] = jnp.sum(p_ref[...], axis=0, keepdims=True) * (1.0 / L)

    return pl.pallas_call(
        body,
        out_shape=jax.ShapeDtypeStruct((1, OUT_DIM), jnp.float32),
    )(partials)


@jax.jit
def kernel(x, weight):
    partials = _sc_partial_sums(x.astype(jnp.int32), weight)
    return _tc_mean(partials)

# --- scband reference (transcript-rebuilt; emitter-appended) ---
"""Pipeline reference for scband-embedding-bag-layer-31396210934384 (READ-ONLY COPY).

The authoritative reference and input builder live on the scoring server;
editing this copy changes nothing except your own understanding.
"""

import jax, jax.numpy as jnp
import numpy as np

IN_DIM = 100000
OUT_DIM = 128
L = 16384

def setup_inputs(seed: int = 0) -> dict:
    key = jax.random.key(seed)
    k1, k2 = jax.random.split(key)
    x = jax.random.randint(k1, (L,), 0, IN_DIM, dtype=jnp.int64) if jax.config.jax_enable_x64 else jax.random.randint(k1, (L,), 0, IN_DIM, dtype=jnp.int32)
    # nn.EmbeddingBag weight init ~ N(0, 1)
    weight = jax.random.normal(k2, (IN_DIM, OUT_DIM), dtype=jnp.float32)
    return {"x": x, "weight": weight}

def reference(x, weight):
    # torch: nn.EmbeddingBag(in_dim, out_dim, mode='mean')(x, offsets=[0])
    # single bag spanning all of x -> mean of gathered rows, shape [1, out_dim]
    gathered = jnp.take(weight, x, axis=0)          # [L, out_dim] gather
    out = jnp.mean(gathered, axis=0, keepdims=True)  # [1, out_dim]
    return out

if __name__ == "__main__":
    import jax
    _d = setup_inputs()
    print(jax.jit(kernel)(*tuple(_d.values())))

</pallas_src>

<mosaic_0001>
#map = affine_map<(d0, d1) -> (0)>
#map1 = affine_map<(d0, d1) -> (0, 0)>
module attributes {stable_mosaic.version = 14 : i64} {
  func.func @body(%arg0: i32, %arg1: i32, %arg2: memref<16384xi32, #tpu.memory_space<hbm>>, %arg3: memref<100000x128xf32, #tpu.memory_space<hbm>>, %arg4: memref<32x128xf32, #tpu.memory_space<hbm>>, %arg5: memref<512xi32, #tpu.memory_space<vmem>>, %arg6: memref<8x64x128xf32, #tpu.memory_space<vmem>>, %arg7: memref<128xf32, #tpu.memory_space<vmem>>, %arg8: memref<!tpu.dma_semaphore, #tpu.memory_space<semaphore_mem>>, %arg9: memref<!tpu.dma_semaphore, #tpu.memory_space<semaphore_mem>>, %arg10: memref<!tpu.dma_semaphore, #tpu.memory_space<semaphore_mem>>, %arg11: memref<!tpu.dma_semaphore, #tpu.memory_space<semaphore_mem>>, %arg12: memref<!tpu.dma_semaphore, #tpu.memory_space<semaphore_mem>>, %arg13: memref<!tpu.dma_semaphore, #tpu.memory_space<semaphore_mem>>, %arg14: memref<!tpu.dma_semaphore, #tpu.memory_space<semaphore_mem>>, %arg15: memref<!tpu.dma_semaphore, #tpu.memory_space<semaphore_mem>>, %arg16: memref<!tpu.dma_semaphore, #tpu.memory_space<semaphore_mem>>, %arg17: memref<!tpu.dma_semaphore, #tpu.memory_space<semaphore_mem>>, %arg18: memref<!tpu.dma_semaphore, #tpu.memory_space<semaphore_mem>>, %arg19: memref<!tpu.dma_semaphore, #tpu.memory_space<semaphore_mem>>, %arg20: memref<!tpu.dma_semaphore, #tpu.memory_space<semaphore_mem>>, %arg21: memref<!tpu.dma_semaphore, #tpu.memory_space<semaphore_mem>>, %arg22: memref<!tpu.dma_semaphore, #tpu.memory_space<semaphore_mem>>, %arg23: memref<!tpu.dma_semaphore, #tpu.memory_space<semaphore_mem>>) attributes {dimension_semantics = [#tpu.dimension_semantics<core_parallel>, #tpu.dimension_semantics<subcore_parallel>], iteration_bounds = array<i64: 2, 16>, scalar_prefetch = 0 : i64, scratch_operands = 19 : i64, tpu.core_type = #tpu.core_type<sc_vector_subcore>, window_params = [{transform_indices = #map}, {transform_indices = #map1}, {transform_indices = #map1}]} {
    %mul3A = arith.constant 2 : i32
    %mul3A_0 = arith.muli %arg1, %mul3A : i32
    %add3A = arith.addi %mul3A_0, %arg0 : i32
    %mul3A_1 = arith.constant 512 : i32
    %mul3A_2 = arith.muli %add3A, %mul3A_1 : i32
    %add3A_3 = arith.constant 0 : i32
    %add3A_4 = arith.addi %mul3A_2, %add3A_3 : i32
    %dma_start3A = arith.constant 0 : i32
    %dma_start3A_5 = tpu.memref_slice %arg5[%dma_start3A] : memref<512xi32, #tpu.memory_space<vmem>> -> memref<64xi32, #tpu.memory_space<vmem>>
    %dma_start3A_6 = tpu.memref_slice %arg2[%add3A_4] : memref<16384xi32, #tpu.memory_space<hbm>> -> memref<64xi32, #tpu.memory_space<hbm>>
    %dma_start3A_7 = arith.constant 0 : i32
    %dma_start3A_8 = tpu.memref_slice %arg5[%dma_start3A_7] : memref<512xi32, #tpu.memory_space<vmem>> -> memref<64xi32, #tpu.memory_space<vmem>>
    %dma_start3A_9 = tpu.memref_slice %arg2[%add3A_4] : memref<16384xi32, #tpu.memory_space<hbm>> -> memref<64xi32, #tpu.memory_space<hbm>>
    tpu.enqueue_dma source(%dma_start3A_9 : memref<64xi32, #tpu.memory_space<hbm>>) target(%dma_start3A_8 : memref<64xi32, #tpu.memory_space<vmem>>) target_semaphore(%arg16 : memref<!tpu.dma_semaphore, #tpu.memory_space<semaphore_mem>>)
    %add3A_10 = arith.constant 64 : i32
    %add3A_11 = arith.addi %mul3A_2, %add3A_10 : i32
    %dma_start3A_12 = arith.constant 64 : i32
    %dma_start3A_13 = tpu.memref_slice %arg5[%dma_start3A_12] : memref<512xi32, #tpu.memory_space<vmem>> -> memref<64xi32, #tpu.memory_space<vmem>>
    %dma_start3A_14 = tpu.memref_slice %arg2[%add3A_11] : memref<16384xi32, #tpu.memory_space<hbm>> -> memref<64xi32, #tpu.memory_space<hbm>>
    %dma_start3A_15 = arith.constant 64 : i32
    %dma_start3A_16 = tpu.memref_slice %arg5[%dma_start3A_15] : memref<512xi32, #tpu.memory_space<vmem>> -> memref<64xi32, #tpu.memory_space<vmem>>
    %dma_start3A_17 = tpu.memref_slice %arg2[%add3A_11] : memref<16384xi32, #tpu.memory_space<hbm>> -> memref<64xi32, #tpu.memory_space<hbm>>
    tpu.enqueue_dma source(%dma_start3A_17 : memref<64xi32, #tpu.memory_space<hbm>>) target(%dma_start3A_16 : memref<64xi32, #tpu.memory_space<vmem>>) target_semaphore(%arg17 : memref<!tpu.dma_semaphore, #tpu.memory_space<semaphore_mem>>)
    %add3A_18 = arith.constant 128 : i32
    %add3A_19 = arith.addi %mul3A_2, %add3A_18 : i32
    %dma_start3A_20 = arith.constant 128 : i32
    %dma_start3A_21 = tpu.memref_slice %arg5[%dma_start3A_20] : memref<512xi32, #tpu.memory_space<vmem>> -> memref<64xi32, #tpu.memory_space<vmem>>
    %dma_start3A_22 = tpu.memref_slice %arg2[%add3A_19] : memref<16384xi32, #tpu.memory_space<hbm>> -> memref<64xi32, #tpu.memory_space<hbm>>
    %dma_start3A_23 = arith.constant 128 : i32
    %dma_start3A_24 = tpu.memref_slice %arg5[%dma_start3A_23] : memref<512xi32, #tpu.memory_space<vmem>> -> memref<64xi32, #tpu.memory_space<vmem>>
    %dma_start3A_25 = tpu.memref_slice %arg2[%add3A_19] : memref<16384xi32, #tpu.memory_space<hbm>> -> memref<64xi32, #tpu.memory_space<hbm>>
    tpu.enqueue_dma source(%dma_start3A_25 : memref<64xi32, #tpu.memory_space<hbm>>) target(%dma_start3A_24 : memref<64xi32, #tpu.memory_space<vmem>>) target_semaphore(%arg18 : memref<!tpu.dma_semaphore, #tpu.memory_space<semaphore_mem>>)
    %add3A_26 = arith.constant 192 : i32
    %add3A_27 = arith.addi %mul3A_2, %add3A_26 : i32
    %dma_start3A_28 = arith.constant 192 : i32
    %dma_start3A_29 = tpu.memref_slice %arg5[%dma_start3A_28] : memref<512xi32, #tpu.memory_space<vmem>> -> memref<64xi32, #tpu.memory_space<vmem>>
    %dma_start3A_30 = tpu.memref_slice %arg2[%add3A_27] : memref<16384xi32, #tpu.memory_space<hbm>> -> memref<64xi32, #tpu.memory_space<hbm>>
    %dma_start3A_31 = arith.constant 192 : i32
    %dma_start3A_32 = tpu.memref_slice %arg5[%dma_start3A_31] : memref<512xi32, #tpu.memory_space<vmem>> -> memref<64xi32, #tpu.memory_space<vmem>>
    %dma_start3A_33 = tpu.memref_slice %arg2[%add3A_27] : memref<16384xi32, #tpu.memory_space<hbm>> -> memref<64xi32, #tpu.memory_space<hbm>>
    tpu.enqueue_dma source(%dma_start3A_33 : memref<64xi32, #tpu.memory_space<hbm>>) target(%dma_start3A_32 : memref<64xi32, #tpu.memory_space<vmem>>) target_semaphore(%arg19 : memref<!tpu.dma_semaphore, #tpu.memory_space<semaphore_mem>>)
    %add3A_34 = arith.constant 256 : i32
    %add3A_35 = arith.addi %mul3A_2, %add3A_34 : i32
    %dma_start3A_36 = arith.constant 256 : i32
    %dma_start3A_37 = tpu.memref_slice %arg5[%dma_start3A_36] : memref<512xi32, #tpu.memory_space<vmem>> -> memref<64xi32, #tpu.memory_space<vmem>>
    %dma_start3A_38 = tpu.memref_slice %arg2[%add3A_35] : memref<16384xi32, #tpu.memory_space<hbm>> -> memref<64xi32, #tpu.memory_space<hbm>>
    %dma_start3A_39 = arith.constant 256 : i32
    %dma_start3A_40 = tpu.memref_slice %arg5[%dma_start3A_39] : memref<512xi32, #tpu.memory_space<vmem>> -> memref<64xi32, #tpu.memory_space<vmem>>
    %dma_start3A_41 = tpu.memref_slice %arg2[%add3A_35] : memref<16384xi32, #tpu.memory_space<hbm>> -> memref<64xi32, #tpu.memory_space<hbm>>
    tpu.enqueue_dma source(%dma_start3A_41 : memref<64xi32, #tpu.memory_space<hbm>>) target(%dma_start3A_40 : memref<64xi32, #tpu.memory_space<vmem>>) target_semaphore(%arg20 : memref<!tpu.dma_semaphore, #tpu.memory_space<semaphore_mem>>)
    %add3A_42 = arith.constant 320 : i32
    %add3A_43 = arith.addi %mul3A_2, %add3A_42 : i32
    %dma_start3A_44 = arith.constant 320 : i32
    %dma_start3A_45 = tpu.memref_slice %arg5[%dma_start3A_44] : memref<512xi32, #tpu.memory_space<vmem>> -> memref<64xi32, #tpu.memory_space<vmem>>
    %dma_start3A_46 = tpu.memref_slice %arg2[%add3A_43] : memref<16384xi32, #tpu.memory_space<hbm>> -> memref<64xi32, #tpu.memory_space<hbm>>
    %dma_start3A_47 = arith.constant 320 : i32
    %dma_start3A_48 = tpu.memref_slice %arg5[%dma_start3A_47] : memref<512xi32, #tpu.memory_space<vmem>> -> memref<64xi32, #tpu.memory_space<vmem>>
    %dma_start3A_49 = tpu.memref_slice %arg2[%add3A_43] : memref<16384xi32, #tpu.memory_space<hbm>> -> memref<64xi32, #tpu.memory_space<hbm>>
    tpu.enqueue_dma source(%dma_start3A_49 : memref<64xi32, #tpu.memory_space<hbm>>) target(%dma_start3A_48 : memref<64xi32, #tpu.memory_space<vmem>>) target_semaphore(%arg21 : memref<!tpu.dma_semaphore, #tpu.memory_space<semaphore_mem>>)
    %add3A_50 = arith.constant 384 : i32
    %add3A_51 = arith.addi %mul3A_2, %add3A_50 : i32
    %dma_start3A_52 = arith.constant 384 : i32
    %dma_start3A_53 = tpu.memref_slice %arg5[%dma_start3A_52] : memref<512xi32, #tpu.memory_space<vmem>> -> memref<64xi32, #tpu.memory_space<vmem>>
    %dma_start3A_54 = tpu.memref_slice %arg2[%add3A_51] : memref<16384xi32, #tpu.memory_space<hbm>> -> memref<64xi32, #tpu.memory_space<hbm>>
    %dma_start3A_55 = arith.constant 384 : i32
    %dma_start3A_56 = tpu.memref_slice %arg5[%dma_start3A_55] : memref<512xi32, #tpu.memory_space<vmem>> -> memref<64xi32, #tpu.memory_space<vmem>>
    %dma_start3A_57 = tpu.memref_slice %arg2[%add3A_51] : memref<16384xi32, #tpu.memory_space<hbm>> -> memref<64xi32, #tpu.memory_space<hbm>>
    tpu.enqueue_dma source(%dma_start3A_57 : memref<64xi32, #tpu.memory_space<hbm>>) target(%dma_start3A_56 : memref<64xi32, #tpu.memory_space<vmem>>) target_semaphore(%arg22 : memref<!tpu.dma_semaphore, #tpu.memory_space<semaphore_mem>>)
    %add3A_58 = arith.constant 448 : i32
    %add3A_59 = arith.addi %mul3A_2, %add3A_58 : i32
    %dma_start3A_60 = arith.constant 448 : i32
    %dma_start3A_61 = tpu.memref_slice %arg5[%dma_start3A_60] : memref<512xi32, #tpu.memory_space<vmem>> -> memref<64xi32, #tpu.memory_space<vmem>>
    %dma_start3A_62 = tpu.memref_slice %arg2[%add3A_59] : memref<16384xi32, #tpu.memory_space<hbm>> -> memref<64xi32, #tpu.memory_space<hbm>>
    %dma_start3A_63 = arith.constant 448 : i32
    %dma_start3A_64 = tpu.memref_slice %arg5[%dma_start3A_63] : memref<512xi32, #tpu.memory_space<vmem>> -> memref<64xi32, #tpu.memory_space<vmem>>
    %dma_start3A_65 = tpu.memref_slice %arg2[%add3A_59] : memref<16384xi32, #tpu.memory_space<hbm>> -> memref<64xi32, #tpu.memory_space<hbm>>
    tpu.enqueue_dma source(%dma_start3A_65 : memref<64xi32, #tpu.memory_space<hbm>>) target(%dma_start3A_64 : memref<64xi32, #tpu.memory_space<vmem>>) target_semaphore(%arg23 : memref<!tpu.dma_semaphore, #tpu.memory_space<semaphore_mem>>)
    %dma_wait3A = arith.constant 0 : i32
    %dma_wait3A_66 = tpu.memref_slice %arg5[%dma_wait3A] : memref<512xi32, #tpu.memory_space<vmem>> -> memref<64xi32, #tpu.memory_space<vmem>>
    %dma_wait3A_67 = tpu.memref_slice %arg2[%add3A_4] : memref<16384xi32, #tpu.memory_space<hbm>> -> memref<64xi32, #tpu.memory_space<hbm>>
    %dma_wait3A_68 = arith.constant 0 : i32
    %dma_wait3A_69 = tpu.memref_slice %arg5[%dma_wait3A_68] : memref<512xi32, #tpu.memory_space<vmem>> -> memref<64xi32, #tpu.memory_space<vmem>>
    %dma_wait3A_70 = tpu.memref_slice %arg2[%add3A_4] : memref<16384xi32, #tpu.memory_space<hbm>> -> memref<64xi32, #tpu.memory_space<hbm>>
    tpu.wait_dma2 semaphore(%arg16 : memref<!tpu.dma_semaphore, #tpu.memory_space<semaphore_mem>>) src(%dma_wait3A_70 : memref<64xi32, #tpu.memory_space<hbm>>) dst(%dma_wait3A_69 : memref<64xi32, #tpu.memory_space<vmem>>)
    %dma_start3A_71 = arith.constant 0 : i32
    %dma_start3A_72 = arith.constant 0 : i32
    %dma_start3A_73 = arith.constant 0 : i32
    %dma_start3A_74 = tpu.memref_slice %arg6[%dma_start3A_71, %dma_start3A_72, %dma_start3A_73] : memref<8x64x128xf32, #tpu.memory_space<vmem>> -> memref<1x64x128xf32, #tpu.memory_space<vmem>>
    %dma_start3A_75 = tpu.memref_squeeze %dma_start3A_74 : memref<1x64x128xf32, #tpu.memory_space<vmem>> -> memref<64x128xf32, #tpu.memory_space<vmem>>
    %dma_start3A_76 = arith.constant 0 : i32
    %dma_start3A_77 = tpu.memref_slice %arg5[%dma_start3A_76] : memref<512xi32, #tpu.memory_space<vmem>> -> memref<64xi32, #tpu.memory_space<vmem>>
    %dma_start3A_78 = arith.constant 0 : i32
    %dma_start3A_79 = arith.constant 0 : i32
    %dma_start3A_80 = tpu.memref_slice %arg3[%dma_start3A_78, %dma_start3A_79] : memref<100000x128xf32, #tpu.memory_space<hbm>> -> memref<100000x128xf32, #tpu.memory_space<hbm>>
    tpu.enqueue_indirect_dma source(%dma_start3A_80 : memref<100000x128xf32, #tpu.memory_space<hbm>>) target(%dma_start3A_75 : memref<64x128xf32, #tpu.memory_space<vmem>>) offsets(%dma_start3A_77 : memref<64xi32, #tpu.memory_space<vmem>>) semaphore(%arg8 : memref<!tpu.dma_semaphore, #tpu.memory_space<semaphore_mem>>)
    %dma_wait3A_81 = arith.constant 64 : i32
    %dma_wait3A_82 = tpu.memref_slice %arg5[%dma_wait3A_81] : memref<512xi32, #tpu.memory_space<vmem>> -> memref<64xi32, #tpu.memory_space<vmem>>
    %dma_wait3A_83 = tpu.memref_slice %arg2[%add3A_11] : memref<16384xi32, #tpu.memory_space<hbm>> -> memref<64xi32, #tpu.memory_space<hbm>>
    %dma_wait3A_84 = arith.constant 64 : i32
    %dma_wait3A_85 = tpu.memref_slice %arg5[%dma_wait3A_84] : memref<512xi32, #tpu.memory_space<vmem>> -> memref<64xi32, #tpu.memory_space<vmem>>
    %dma_wait3A_86 = tpu.memref_slice %arg2[%add3A_11] : memref<16384xi32, #tpu.memory_space<hbm>> -> memref<64xi32, #tpu.memory_space<hbm>>
    tpu.wait_dma2 semaphore(%arg17 : memref<!tpu.dma_semaphore, #tpu.memory_space<semaphore_mem>>) src(%dma_wait3A_86 : memref<64xi32, #tpu.memory_space<hbm>>) dst(%dma_wait3A_85 : memref<64xi32, #tpu.memory_space<vmem>>)
    %dma_start3A_87 = arith.constant 1 : i32
    %dma_start3A_88 = arith.constant 0 : i32
    %dma_start3A_89 = arith.constant 0 : i32
    %dma_start3A_90 = tpu.memref_slice %arg6[%dma_start3A_87, %dma_start3A_88, %dma_start3A_89] : memref<8x64x128xf32, #tpu.memory_space<vmem>> -> memref<1x64x128xf32, #tpu.memory_space<vmem>>
    %dma_start3A_91 = tpu.memref_squeeze %dma_start3A_90 : memref<1x64x128xf32, #tpu.memory_space<vmem>> -> memref<64x128xf32, #tpu.memory_space<vmem>>
    %dma_start3A_92 = arith.constant 64 : i32
    %dma_start3A_93 = tpu.memref_slice %arg5[%dma_start3A_92] : memref<512xi32, #tpu.memory_space<vmem>> -> memref<64xi32, #tpu.memory_space<vmem>>
    %dma_start3A_94 = arith.constant 0 : i32
    %dma_start3A_95 = arith.constant 0 : i32
    %dma_start3A_96 = tpu.memref_slice %arg3[%dma_start3A_94, %dma_start3A_95] : memref<100000x128xf32, #tpu.memory_space<hbm>> -> memref<100000x128xf32, #tpu.memory_space<hbm>>
    tpu.enqueue_indirect_dma source(%dma_start3A_96 : memref<100000x128xf32, #tpu.memory_space<hbm>>) target(%dma_start3A_91 : memref<64x128xf32, #tpu.memory_space<vmem>>) offsets(%dma_start3A_93 : memref<64xi32, #tpu.memory_space<vmem>>) semaphore(%arg9 : memref<!tpu.dma_semaphore, #tpu.memory_space<semaphore_mem>>)
    %dma_wait3A_97 = arith.constant 128 : i32
    %dma_wait3A_98 = tpu.memref_slice %arg5[%dma_wait3A_97] : memref<512xi32, #tpu.memory_space<vmem>> -> memref<64xi32, #tpu.memory_space<vmem>>
    %dma_wait3A_99 = tpu.memref_slice %arg2[%add3A_19] : memref<16384xi32, #tpu.memory_space<hbm>> -> memref<64xi32, #tpu.memory_space<hbm>>
    %dma_wait3A_100 = arith.constant 128 : i32
    %dma_wait3A_101 = tpu.memref_slice %arg5[%dma_wait3A_100] : memref<512xi32, #tpu.memory_space<vmem>> -> memref<64xi32, #tpu.memory_space<vmem>>
    %dma_wait3A_102 = tpu.memref_slice %arg2[%add3A_19] : memref<16384xi32, #tpu.memory_space<hbm>> -> memref<64xi32, #tpu.memory_space<hbm>>
    tpu.wait_dma2 semaphore(%arg18 : memref<!tpu.dma_semaphore, #tpu.memory_space<semaphore_mem>>) src(%dma_wait3A_102 : memref<64xi32, #tpu.memory_space<hbm>>) dst(%dma_wait3A_101 : memref<64xi32, #tpu.memory_space<vmem>>)
    %dma_start3A_103 = arith.constant 2 : i32
    %dma_start3A_104 = arith.constant 0 : i32
    %dma_start3A_105 = arith.constant 0 : i32
    %dma_start3A_106 = tpu.memref_slice %arg6[%dma_start3A_103, %dma_start3A_104, %dma_start3A_105] : memref<8x64x128xf32, #tpu.memory_space<vmem>> -> memref<1x64x128xf32, #tpu.memory_space<vmem>>
    %dma_start3A_107 = tpu.memref_squeeze %dma_start3A_106 : memref<1x64x128xf32, #tpu.memory_space<vmem>> -> memref<64x128xf32, #tpu.memory_space<vmem>>
    %dma_start3A_108 = arith.constant 128 : i32
    %dma_start3A_109 = tpu.memref_slice %arg5[%dma_start3A_108] : memref<512xi32, #tpu.memory_space<vmem>> -> memref<64xi32, #tpu.memory_space<vmem>>
    %dma_start3A_110 = arith.constant 0 : i32
    %dma_start3A_111 = arith.constant 0 : i32
    %dma_start3A_112 = tpu.memref_slice %arg3[%dma_start3A_110, %dma_start3A_111] : memref<100000x128xf32, #tpu.memory_space<hbm>> -> memref<100000x128xf32, #tpu.memory_space<hbm>>
    tpu.enqueue_indirect_dma source(%dma_start3A_112 : memref<100000x128xf32, #tpu.memory_space<hbm>>) target(%dma_start3A_107 : memref<64x128xf32, #tpu.memory_space<vmem>>) offsets(%dma_start3A_109 : memref<64xi32, #tpu.memory_space<vmem>>) semaphore(%arg10 : memref<!tpu.dma_semaphore, #tpu.memory_space<semaphore_mem>>)
    %dma_wait3A_113 = arith.constant 192 : i32
    %dma_wait3A_114 = tpu.memref_slice %arg5[%dma_wait3A_113] : memref<512xi32, #tpu.memory_space<vmem>> -> memref<64xi32, #tpu.memory_space<vmem>>
    %dma_wait3A_115 = tpu.memref_slice %arg2[%add3A_27] : memref<16384xi32, #tpu.memory_space<hbm>> -> memref<64xi32, #tpu.memory_space<hbm>>
    %dma_wait3A_116 = arith.constant 192 : i32
    %dma_wait3A_117 = tpu.memref_slice %arg5[%dma_wait3A_116] : memref<512xi32, #tpu.memory_space<vmem>> -> memref<64xi32, #tpu.memory_space<vmem>>
    %dma_wait3A_118 = tpu.memref_slice %arg2[%add3A_27] : memref<16384xi32, #tpu.memory_space<hbm>> -> memref<64xi32, #tpu.memory_space<hbm>>
    tpu.wait_dma2 semaphore(%arg19 : memref<!tpu.dma_semaphore, #tpu.memory_space<semaphore_mem>>) src(%dma_wait3A_118 : memref<64xi32, #tpu.memory_space<hbm>>) dst(%dma_wait3A_117 : memref<64xi32, #tpu.memory_space<vmem>>)
    %dma_start3A_119 = arith.constant 3 : i32
    %dma_start3A_120 = arith.constant 0 : i32
    %dma_start3A_121 = arith.constant 0 : i32
    %dma_start3A_122 = tpu.memref_slice %arg6[%dma_start3A_119, %dma_start3A_120, %dma_start3A_121] : memref<8x64x128xf32, #tpu.memory_space<vmem>> -> memref<1x64x128xf32, #tpu.memory_space<vmem>>
    %dma_start3A_123 = tpu.memref_squeeze %dma_start3A_122 : memref<1x64x128xf32, #tpu.memory_space<vmem>> -> memref<64x128xf32, #tpu.memory_space<vmem>>
    %dma_start3A_124 = arith.constant 192 : i32
    %dma_start3A_125 = tpu.memref_slice %arg5[%dma_start3A_124] : memref<512xi32, #tpu.memory_space<vmem>> -> memref<64xi32, #tpu.memory_space<vmem>>
    %dma_start3A_126 = arith.constant 0 : i32
    %dma_start3A_127 = arith.constant 0 : i32
    %dma_start3A_128 = tpu.memref_slice %arg3[%dma_start3A_126, %dma_start3A_127] : memref<100000x128xf32, #tpu.memory_space<hbm>> -> memref<100000x128xf32, #tpu.memory_space<hbm>>
    tpu.enqueue_indirect_dma source(%dma_start3A_128 : memref<100000x128xf32, #tpu.memory_space<hbm>>) target(%dma_start3A_123 : memref<64x128xf32, #tpu.memory_space<vmem>>) offsets(%dma_start3A_125 : memref<64xi32, #tpu.memory_space<vmem>>) semaphore(%arg11 : memref<!tpu.dma_semaphore, #tpu.memory_space<semaphore_mem>>)
    %dma_wait3A_129 = arith.constant 256 : i32
    %dma_wait3A_130 = tpu.memref_slice %arg5[%dma_wait3A_129] : memref<512xi32, #tpu.memory_space<vmem>> -> memref<64xi32, #tpu.memory_space<vmem>>
    %dma_wait3A_131 = tpu.memref_slice %arg2[%add3A_35] : memref<16384xi32, #tpu.memory_space<hbm>> -> memref<64xi32, #tpu.memory_space<hbm>>
    %dma_wait3A_132 = arith.constant 256 : i32
    %dma_wait3A_133 = tpu.memref_slice %arg5[%dma_wait3A_132] : memref<512xi32, #tpu.memory_space<vmem>> -> memref<64xi32, #tpu.memory_space<vmem>>
    %dma_wait3A_134 = tpu.memref_slice %arg2[%add3A_35] : memref<16384xi32, #tpu.memory_space<hbm>> -> memref<64xi32, #tpu.memory_space<hbm>>
    tpu.wait_dma2 semaphore(%arg20 : memref<!tpu.dma_semaphore, #tpu.memory_space<semaphore_mem>>) src(%dma_wait3A_134 : memref<64xi32, #tpu.memory_space<hbm>>) dst(%dma_wait3A_133 : memref<64xi32, #tpu.memory_space<vmem>>)
    %dma_start3A_135 = arith.constant 4 : i32
    %dma_start3A_136 = arith.constant 0 : i32
    %dma_start3A_137 = arith.constant 0 : i32
    %dma_start3A_138 = tpu.memref_slice %arg6[%dma_start3A_135, %dma_start3A_136, %dma_start3A_137] : memref<8x64x128xf32, #tpu.memory_space<vmem>> -> memref<1x64x128xf32, #tpu.memory_space<vmem>>
    %dma_start3A_139 = tpu.memref_squeeze %dma_start3A_138 : memref<1x64x128xf32, #tpu.memory_space<vmem>> -> memref<64x128xf32, #tpu.memory_space<vmem>>
    %dma_start3A_140 = arith.constant 256 : i32
    %dma_start3A_141 = tpu.memref_slice %arg5[%dma_start3A_140] : memref<512xi32, #tpu.memory_space<vmem>> -> memref<64xi32, #tpu.memory_space<vmem>>
    %dma_start3A_142 = arith.constant 0 : i32
    %dma_start3A_143 = arith.constant 0 : i32
    %dma_start3A_144 = tpu.memref_slice %arg3[%dma_start3A_142, %dma_start3A_143] : memref<100000x128xf32, #tpu.memory_space<hbm>> -> memref<100000x128xf32, #tpu.memory_space<hbm>>
    tpu.enqueue_indirect_dma source(%dma_start3A_144 : memref<100000x128xf32, #tpu.memory_space<hbm>>) target(%dma_start3A_139 : memref<64x128xf32, #tpu.memory_space<vmem>>) offsets(%dma_start3A_141 : memref<64xi32, #tpu.memory_space<vmem>>) semaphore(%arg12 : memref<!tpu.dma_semaphore, #tpu.memory_space<semaphore_mem>>)
    %dma_wait3A_145 = arith.constant 320 : i32
    %dma_wait3A_146 = tpu.memref_slice %arg5[%dma_wait3A_145] : memref<512xi32, #tpu.memory_space<vmem>> -> memref<64xi32, #tpu.memory_space<vmem>>
    %dma_wait3A_147 = tpu.memref_slice %arg2[%add3A_43] : memref<16384xi32, #tpu.memory_space<hbm>> -> memref<64xi32, #tpu.memory_space<hbm>>
    %dma_wait3A_148 = arith.constant 320 : i32
    %dma_wait3A_149 = tpu.memref_slice %arg5[%dma_wait3A_148] : memref<512xi32, #tpu.memory_space<vmem>> -> memref<64xi32, #tpu.memory_space<vmem>>
    %dma_wait3A_150 = tpu.memref_slice %arg2[%add3A_43] : memref<16384xi32, #tpu.memory_space<hbm>> -> memref<64xi32, #tpu.memory_space<hbm>>
    tpu.wait_dma2 semaphore(%arg21 : memref<!tpu.dma_semaphore, #tpu.memory_space<semaphore_mem>>) src(%dma_wait3A_150 : memref<64xi32, #tpu.memory_space<hbm>>) dst(%dma_wait3A_149 : memref<64xi32, #tpu.memory_space<vmem>>)
    %dma_start3A_151 = arith.constant 5 : i32
    %dma_start3A_152 = arith.constant 0 : i32
    %dma_start3A_153 = arith.constant 0 : i32
    %dma_start3A_154 = tpu.memref_slice %arg6[%dma_start3A_151, %dma_start3A_152, %dma_start3A_153] : memref<8x64x128xf32, #tpu.memory_space<vmem>> -> memref<1x64x128xf32, #tpu.memory_space<vmem>>
    %dma_start3A_155 = tpu.memref_squeeze %dma_start3A_154 : memref<1x64x128xf32, #tpu.memory_space<vmem>> -> memref<64x128xf32, #tpu.memory_space<vmem>>
    %dma_start3A_156 = arith.constant 320 : i32
    %dma_start3A_157 = tpu.memref_slice %arg5[%dma_start3A_156] : memref<512xi32, #tpu.memory_space<vmem>> -> memref<64xi32, #tpu.memory_space<vmem>>
    %dma_start3A_158 = arith.constant 0 : i32
    %dma_start3A_159 = arith.constant 0 : i32
    %dma_start3A_160 = tpu.memref_slice %arg3[%dma_start3A_158, %dma_start3A_159] : memref<100000x128xf32, #tpu.memory_space<hbm>> -> memref<100000x128xf32, #tpu.memory_space<hbm>>
    tpu.enqueue_indirect_dma source(%dma_start3A_160 : memref<100000x128xf32, #tpu.memory_space<hbm>>) target(%dma_start3A_155 : memref<64x128xf32, #tpu.memory_space<vmem>>) offsets(%dma_start3A_157 : memref<64xi32, #tpu.memory_space<vmem>>) semaphore(%arg13 : memref<!tpu.dma_semaphore, #tpu.memory_space<semaphore_mem>>)
    %dma_wait3A_161 = arith.constant 384 : i32
    %dma_wait3A_162 = tpu.memref_slice %arg5[%dma_wait3A_161] : memref<512xi32, #tpu.memory_space<vmem>> -> memref<64xi32, #tpu.memory_space<vmem>>
    %dma_wait3A_163 = tpu.memref_slice %arg2[%add3A_51] : memref<16384xi32, #tpu.memory_space<hbm>> -> memref<64xi32, #tpu.memory_space<hbm>>
    %dma_wait3A_164 = arith.constant 384 : i32
    %dma_wait3A_165 = tpu.memref_slice %arg5[%dma_wait3A_164] : memref<512xi32, #tpu.memory_space<vmem>> -> memref<64xi32, #tpu.memory_space<vmem>>
    %dma_wait3A_166 = tpu.memref_slice %arg2[%add3A_51] : memref<16384xi32, #tpu.memory_space<hbm>> -> memref<64xi32, #tpu.memory_space<hbm>>
    tpu.wait_dma2 semaphore(%arg22 : memref<!tpu.dma_semaphore, #tpu.memory_space<semaphore_mem>>) src(%dma_wait3A_166 : memref<64xi32, #tpu.memory_space<hbm>>) dst(%dma_wait3A_165 : memref<64xi32, #tpu.memory_space<vmem>>)
    %dma_start3A_167 = arith.constant 6 : i32
    %dma_start3A_168 = arith.constant 0 : i32
    %dma_start3A_169 = arith.constant 0 : i32
    %dma_start3A_170 = tpu.memref_slice %arg6[%dma_start3A_167, %dma_start3A_168, %dma_start3A_169] : memref<8x64x128xf32, #tpu.memory_space<vmem>> -> memref<1x64x128xf32, #tpu.memory_space<vmem>>
    %dma_start3A_171 = tpu.memref_squeeze %dma_start3A_170 : memref<1x64x128xf32, #tpu.memory_space<vmem>> -> memref<64x128xf32, #tpu.memory_space<vmem>>
    %dma_start3A_172 = arith.constant 384 : i32
    %dma_start3A_173 = tpu.memref_slice %arg5[%dma_start3A_172] : memref<512xi32, #tpu.memory_space<vmem>> -> memref<64xi32, #tpu.memory_space<vmem>>
    %dma_start3A_174 = arith.constant 0 : i32
    %dma_start3A_175 = arith.constant 0 : i32
    %dma_start3A_176 = tpu.memref_slice %arg3[%dma_start3A_174, %dma_start3A_175] : memref<100000x128xf32, #tpu.memory_space<hbm>> -> memref<100000x128xf32, #tpu.memory_space<hbm>>
    tpu.enqueue_indirect_dma source(%dma_start3A_176 : memref<100000x128xf32, #tpu.memory_space<hbm>>) target(%dma_start3A_171 : memref<64x128xf32, #tpu.memory_space<vmem>>) offsets(%dma_start3A_173 : memref<64xi32, #tpu.memory_space<vmem>>) semaphore(%arg14 : memref<!tpu.dma_semaphore, #tpu.memory_space<semaphore_mem>>)
    %dma_wait3A_177 = arith.constant 448 : i32
    %dma_wait3A_178 = tpu.memref_slice %arg5[%dma_wait3A_177] : memref<512xi32, #tpu.memory_space<vmem>> -> memref<64xi32, #tpu.memory_space<vmem>>
    %dma_wait3A_179 = tpu.memref_slice %arg2[%add3A_59] : memref<16384xi32, #tpu.memory_space<hbm>> -> memref<64xi32, #tpu.memory_space<hbm>>
    %dma_wait3A_180 = arith.constant 448 : i32
    %dma_wait3A_181 = tpu.memref_slice %arg5[%dma_wait3A_180] : memref<512xi32, #tpu.memory_space<vmem>> -> memref<64xi32, #tpu.memory_space<vmem>>
    %dma_wait3A_182 = tpu.memref_slice %arg2[%add3A_59] : memref<16384xi32, #tpu.memory_space<hbm>> -> memref<64xi32, #tpu.memory_space<hbm>>
    tpu.wait_dma2 semaphore(%arg23 : memref<!tpu.dma_semaphore, #tpu.memory_space<semaphore_mem>>) src(%dma_wait3A_182 : memref<64xi32, #tpu.memory_space<hbm>>) dst(%dma_wait3A_181 : memref<64xi32, #tpu.memory_space<vmem>>)
    %dma_start3A_183 = arith.constant 7 : i32
    %dma_start3A_184 = arith.constant 0 : i32
    %dma_start3A_185 = arith.constant 0 : i32
    %dma_start3A_186 = tpu.memref_slice %arg6[%dma_start3A_183, %dma_start3A_184, %dma_start3A_185] : memref<8x64x128xf32, #tpu.memory_space<vmem>> -> memref<1x64x128xf32, #tpu.memory_space<vmem>>
    %dma_start3A_187 = tpu.memref_squeeze %dma_start3A_186 : memref<1x64x128xf32, #tpu.memory_space<vmem>> -> memref<64x128xf32, #tpu.memory_space<vmem>>
    %dma_start3A_188 = arith.constant 448 : i32
    %dma_start3A_189 = tpu.memref_slice %arg5[%dma_start3A_188] : memref<512xi32, #tpu.memory_space<vmem>> -> memref<64xi32, #tpu.memory_space<vmem>>
    %dma_start3A_190 = arith.constant 0 : i32
    %dma_start3A_191 = arith.constant 0 : i32
    %dma_start3A_192 = tpu.memref_slice %arg3[%dma_start3A_190, %dma_start3A_191] : memref<100000x128xf32, #tpu.memory_space<hbm>> -> memref<100000x128xf32, #tpu.memory_space<hbm>>
    tpu.enqueue_indirect_dma source(%dma_start3A_192 : memref<100000x128xf32, #tpu.memory_space<hbm>>) target(%dma_start3A_187 : memref<64x128xf32, #tpu.memory_space<vmem>>) offsets(%dma_start3A_189 : memref<64xi32, #tpu.memory_space<vmem>>) semaphore(%arg15 : memref<!tpu.dma_semaphore, #tpu.memory_space<semaphore_mem>>)
    %broadcast_in_dim3A = arith.constant 0.000000e+00 : f32
    %broadcast_in_dim3A_193 = vector.broadcast %broadcast_in_dim3A : f32 to vector<16xf32>
    %broadcast_in_dim3A_194 = arith.constant 0.000000e+00 : f32
    %broadcast_in_dim3A_195 = vector.broadcast %broadcast_in_dim3A_194 : f32 to vector<16xf32>
    %broadcast_in_dim3A_196 = arith.constant 0.000000e+00 : f32
    %broadcast_in_dim3A_197 = vector.broadcast %broadcast_in_dim3A_196 : f32 to vector<16xf32>
    %broadcast_in_dim3A_198 = arith.constant 0.000000e+00 : f32
    %broadcast_in_dim3A_199 = vector.broadcast %broadcast_in_dim3A_198 : f32 to vector<16xf32>
    %broadcast_in_dim3A_200 = arith.constant 0.000000e+00 : f32
    %broadcast_in_dim3A_201 = vector.broadcast %broadcast_in_dim3A_200 : f32 to vector<16xf32>
    %broadcast_in_dim3A_202 = arith.constant 0.000000e+00 : f32
    %broadcast_in_dim3A_203 = vector.broadcast %broadcast_in_dim3A_202 : f32 to vector<16xf32>
    %broadcast_in_dim3A_204 = arith.constant 0.000000e+00 : f32
    %broadcast_in_dim3A_205 = vector.broadcast %broadcast_in_dim3A_204 : f32 to vector<16xf32>
    %broadcast_in_dim3A_206 = arith.constant 0.000000e+00 : f32
    %broadcast_in_dim3A_207 = vector.broadcast %broadcast_in_dim3A_206 : f32 to vector<16xf32>
    %dma_wait3A_208 = arith.constant 0 : i32
    %dma_wait3A_209 = arith.constant 0 : i32
    %dma_wait3A_210 = arith.constant 0 : i32
    %dma_wait3A_211 = tpu.memref_slice %arg6[%dma_wait3A_208, %dma_wait3A_209, %dma_wait3A_210] : memref<8x64x128xf32, #tpu.memory_space<vmem>> -> memref<1x64x128xf32, #tpu.memory_space<vmem>>
    %dma_wait3A_212 = tpu.memref_squeeze %dma_wait3A_211 : memref<1x64x128xf32, #tpu.memory_space<vmem>> -> memref<64x128xf32, #tpu.memory_space<vmem>>
    %dma_wait3A_213 = arith.constant 0 : i32
    %dma_wait3A_214 = tpu.memref_slice %arg5[%dma_wait3A_213] : memref<512xi32, #tpu.memory_space<vmem>> -> memref<64xi32, #tpu.memory_space<vmem>>
    %dma_wait3A_215 = arith.constant 0 : i32
    %dma_wait3A_216 = arith.constant 0 : i32
    %dma_wait3A_217 = tpu.memref_slice %arg3[%dma_wait3A_215, %dma_wait3A_216] : memref<100000x128xf32, #tpu.memory_space<hbm>> -> memref<100000x128xf32, #tpu.memory_space<hbm>>
    tpu.wait_indirect_dma semaphore(%arg8 : memref<!tpu.dma_semaphore, #tpu.memory_space<semaphore_mem>>) src(%dma_wait3A_217 : memref<100000x128xf32, #tpu.memory_space<hbm>>) dst(%dma_wait3A_212 : memref<64x128xf32, #tpu.memory_space<vmem>>)
    %scan3A = arith.constant 0 : i32
    %scan3A_218 = arith.constant 64 : i32
    %scan3A_219 = arith.addi %scan3A, %scan3A_218 : i32
    %scan3A_220 = arith.constant 1 : i32
    %scan3A_221:8 = scf.for %scan3A_366 = %scan3A to %scan3A_219 step %scan3A_220 iter_args(%scan3A_367 = %broadcast_in_dim3A_193, %scan3A_368 = %broadcast_in_dim3A_195, %scan3A_369 = %broadcast_in_dim3A_197, %scan3A_370 = %broadcast_in_dim3A_199, %scan3A_371 = %broadcast_in_dim3A_201, %scan3A_372 = %broadcast_in_dim3A_203, %scan3A_373 = %broadcast_in_dim3A_205, %scan3A_374 = %broadcast_in_dim3A_207) -> (vector<16xf32>, vector<16xf32>, vector<16xf32>, vector<16xf32>, vector<16xf32>, vector<16xf32>, vector<16xf32>, vector<16xf32>)  : i32 {
      %get3A = arith.constant 0 : i32
      %get3A_375 = arith.index_cast %get3A : i32 to index
      %get3A_376 = arith.index_cast %scan3A_366 : i32 to index
      %get3A_377 = arith.constant 0 : index
      %get3A_378 = tpu.vector_load %arg6[%get3A_375, %get3A_376, %get3A_377] {strides = array<i32>} : memref<8x64x128xf32, #tpu.memory_space<vmem>>, vector<1x1x16xf32>,
      %get3A_379 = vector.shape_cast %get3A_378 : vector<1x1x16xf32> to vector<16xf32>
      %add3A_380 = arith.addf %scan3A_367, %get3A_379 : vector<16xf32>
      %get3A_381 = arith.constant 0 : i32
      %get3A_382 = arith.index_cast %get3A_381 : i32 to index
      %get3A_383 = arith.index_cast %scan3A_366 : i32 to index
      %get3A_384 = arith.constant 16 : index
      %get3A_385 = tpu.vector_load %arg6[%get3A_382, %get3A_383, %get3A_384] {strides = array<i32>} : memref<8x64x128xf32, #tpu.memory_space<vmem>>, vector<1x1x16xf32>,
      %get3A_386 = vector.shape_cast %get3A_385 : vector<1x1x16xf32> to vector<16xf32>
      %add3A_387 = arith.addf %scan3A_368, %get3A_386 : vector<16xf32>
      %get3A_388 = arith.constant 0 : i32
      %get3A_389 = arith.index_cast %get3A_388 : i32 to index
      %get3A_390 = arith.index_cast %scan3A_366 : i32 to index
      %get3A_391 = arith.constant 32 : index
      %get3A_392 = tpu.vector_load %arg6[%get3A_389, %get3A_390, %get3A_391] {strides = array<i32>} : memref<8x64x128xf32, #tpu.memory_space<vmem>>, vector<1x1x16xf32>,
      %get3A_393 = vector.shape_cast %get3A_392 : vector<1x1x16xf32> to vector<16xf32>
      %add3A_394 = arith.addf %scan3A_369, %get3A_393 : vector<16xf32>
      %get3A_395 = arith.constant 0 : i32
      %get3A_396 = arith.index_cast %get3A_395 : i32 to index
      %get3A_397 = arith.index_cast %scan3A_366 : i32 to index
      %get3A_398 = arith.constant 48 : index
      %get3A_399 = tpu.vector_load %arg6[%get3A_396, %get3A_397, %get3A_398] {strides = array<i32>} : memref<8x64x128xf32, #tpu.memory_space<vmem>>, vector<1x1x16xf32>,
      %get3A_400 = vector.shape_cast %get3A_399 : vector<1x1x16xf32> to vector<16xf32>
      %add3A_401 = arith.addf %scan3A_370, %get3A_400 : vector<16xf32>
      %get3A_402 = arith.constant 0 : i32
      %get3A_403 = arith.index_cast %get3A_402 : i32 to index
      %get3A_404 = arith.index_cast %scan3A_366 : i32 to index
      %get3A_405 = arith.constant 64 : index
      %get3A_406 = tpu.vector_load %arg6[%get3A_403, %get3A_404, %get3A_405] {strides = array<i32>} : memref<8x64x128xf32, #tpu.memory_space<vmem>>, vector<1x1x16xf32>,
      %get3A_407 = vector.shape_cast %get3A_406 : vector<1x1x16xf32> to vector<16xf32>
      %add3A_408 = arith.addf %scan3A_371, %get3A_407 : vector<16xf32>
      %get3A_409 = arith.constant 0 : i32
      %get3A_410 = arith.index_cast %get3A_409 : i32 to index
      %get3A_411 = arith.index_cast %scan3A_366 : i32 to index
      %get3A_412 = arith.constant 80 : index
      %get3A_413 = tpu.vector_load %arg6[%get3A_410, %get3A_411, %get3A_412] {strides = array<i32>} : memref<8x64x128xf32, #tpu.memory_space<vmem>>, vector<1x1x16xf32>,
      %get3A_414 = vector.shape_cast %get3A_413 : vector<1x1x16xf32> to vector<16xf32>
      %add3A_415 = arith.addf %scan3A_372, %get3A_414 : vector<16xf32>
      %get3A_416 = arith.constant 0 : i32
      %get3A_417 = arith.index_cast %get3A_416 : i32 to index
      %get3A_418 = arith.index_cast %scan3A_366 : i32 to index
      %get3A_419 = arith.constant 96 : index
      %get3A_420 = tpu.vector_load %arg6[%get3A_417, %get3A_418, %get3A_419] {strides = array<i32>} : memref<8x64x128xf32, #tpu.memory_space<vmem>>, vector<1x1x16xf32>,
      %get3A_421 = vector.shape_cast %get3A_420 : vector<1x1x16xf32> to vector<16xf32>
      %add3A_422 = arith.addf %scan3A_373, %get3A_421 : vector<16xf32>
      %get3A_423 = arith.constant 0 : i32
      %get3A_424 = arith.index_cast %get3A_423 : i32 to index
      %get3A_425 = arith.index_cast %scan3A_366 : i32 to index
      %get3A_426 = arith.constant 112 : index
      %get3A_427 = tpu.vector_load %arg6[%get3A_424, %get3A_425, %get3A_426] {strides = array<i32>} : memref<8x64x128xf32, #tpu.memory_space<vmem>>, vector<1x1x16xf32>,
      %get3A_428 = vector.shape_cast %get3A_427 : vector<1x1x16xf32> to vector<16xf32>
      %add3A_429 = arith.addf %scan3A_374, %get3A_428 : vector<16xf32>
      scf.yield %add3A_380, %add3A_387, %add3A_394, %add3A_401, %add3A_408, %add3A_415, %add3A_422, %add3A_429 : vector<16xf32>, vector<16xf32>, vector<16xf32>, vector<16xf32>, vector<16xf32>, vector<16xf32>, vector<16xf32>, vector<16xf32>
    }
    %scan3A_222 = arith.constant 64 : i32
    %dma_wait3A_223 = arith.constant 1 : i32
    %dma_wait3A_224 = arith.constant 0 : i32
    %dma_wait3A_225 = arith.constant 0 : i32
    %dma_wait3A_226 = tpu.memref_slice %arg6[%dma_wait3A_223, %dma_wait3A_224, %dma_wait3A_225] : memref<8x64x128xf32, #tpu.memory_space<vmem>> -> memref<1x64x128xf32, #tpu.memory_space<vmem>>
    %dma_wait3A_227 = tpu.memref_squeeze %dma_wait3A_226 : memref<1x64x128xf32, #tpu.memory_space<vmem>> -> memref<64x128xf32, #tpu.memory_space<vmem>>
    %dma_wait3A_228 = arith.constant 64 : i32
    %dma_wait3A_229 = tpu.memref_slice %arg5[%dma_wait3A_228] : memref<512xi32, #tpu.memory_space<vmem>> -> memref<64xi32, #tpu.memory_space<vmem>>
    %dma_wait3A_230 = arith.constant 0 : i32
    %dma_wait3A_231 = arith.constant 0 : i32
    %dma_wait3A_232 = tpu.memref_slice %arg3[%dma_wait3A_230, %dma_wait3A_231] : memref<100000x128xf32, #tpu.memory_space<hbm>> -> memref<100000x128xf32, #tpu.memory_space<hbm>>
    tpu.wait_indirect_dma semaphore(%arg9 : memref<!tpu.dma_semaphore, #tpu.memory_space<semaphore_mem>>) src(%dma_wait3A_232 : memref<100000x128xf32, #tpu.memory_space<hbm>>) dst(%dma_wait3A_227 : memref<64x128xf32, #tpu.memory_space<vmem>>)
    %scan3A_233 = arith.constant 0 : i32
    %scan3A_234 = arith.constant 64 : i32
    %scan3A_235 = arith.addi %scan3A_233, %scan3A_234 : i32
    %scan3A_236 = arith.constant 1 : i32
    %scan3A_237:8 = scf.for %scan3A_366 = %scan3A_233 to %scan3A_235 step %scan3A_236 iter_args(%scan3A_367 = %scan3A_221#0, %scan3A_368 = %scan3A_221#1, %scan3A_369 = %scan3A_221#2, %scan3A_370 = %scan3A_221#3, %scan3A_371 = %scan3A_221#4, %scan3A_372 = %scan3A_221#5, %scan3A_373 = %scan3A_221#6, %scan3A_374 = %scan3A_221#7) -> (vector<16xf32>, vector<16xf32>, vector<16xf32>, vector<16xf32>, vector<16xf32>, vector<16xf32>, vector<16xf32>, vector<16xf32>)  : i32 {
      %get3A = arith.constant 1 : i32
      %get3A_375 = arith.index_cast %get3A : i32 to index
      %get3A_376 = arith.index_cast %scan3A_366 : i32 to index
      %get3A_377 = arith.constant 0 : index
      %get3A_378 = tpu.vector_load %arg6[%get3A_375, %get3A_376, %get3A_377] {strides = array<i32>} : memref<8x64x128xf32, #tpu.memory_space<vmem>>, vector<1x1x16xf32>,
      %get3A_379 = vector.shape_cast %get3A_378 : vector<1x1x16xf32> to vector<16xf32>
      %add3A_380 = arith.addf %scan3A_367, %get3A_379 : vector<16xf32>
      %get3A_381 = arith.constant 1 : i32
      %get3A_382 = arith.index_cast %get3A_381 : i32 to index
      %get3A_383 = arith.index_cast %scan3A_366 : i32 to index
      %get3A_384 = arith.constant 16 : index
      %get3A_385 = tpu.vector_load %arg6[%get3A_382, %get3A_383, %get3A_384] {strides = array<i32>} : memref<8x64x128xf32, #tpu.memory_space<vmem>>, vector<1x1x16xf32>,
      %get3A_386 = vector.shape_cast %get3A_385 : vector<1x1x16xf32> to vector<16xf32>
      %add3A_387 = arith.addf %scan3A_368, %get3A_386 : vector<16xf32>
      %get3A_388 = arith.constant 1 : i32
      %get3A_389 = arith.index_cast %get3A_388 : i32 to index
      %get3A_390 = arith.index_cast %scan3A_366 : i32 to index
      %get3A_391 = arith.constant 32 : index
      %get3A_392 = tpu.vector_load %arg6[%get3A_389, %get3A_390, %get3A_391] {strides = array<i32>} : memref<8x64x128xf32, #tpu.memory_space<vmem>>, vector<1x1x16xf32>,
      %get3A_393 = vector.shape_cast %get3A_392 : vector<1x1x16xf32> to vector<16xf32>
      %add3A_394 = arith.addf %scan3A_369, %get3A_393 : vector<16xf32>
      %get3A_395 = arith.constant 1 : i32
      %get3A_396 = arith.index_cast %get3A_395 : i32 to index
      %get3A_397 = arith.index_cast %scan3A_366 : i32 to index
      %get3A_398 = arith.constant 48 : index
      %get3A_399 = tpu.vector_load %arg6[%get3A_396, %get3A_397, %get3A_398] {strides = array<i32>} : memref<8x64x128xf32, #tpu.memory_space<vmem>>, vector<1x1x16xf32>,
      %get3A_400 = vector.shape_cast %get3A_399 : vector<1x1x16xf32> to vector<16xf32>
      %add3A_401 = arith.addf %scan3A_370, %get3A_400 : vector<16xf32>
      %get3A_402 = arith.constant 1 : i32
      %get3A_403 = arith.index_cast %get3A_402 : i32 to index
      %get3A_404 = arith.index_cast %scan3A_366 : i32 to index
      %get3A_405 = arith.constant 64 : index
      %get3A_406 = tpu.vector_load %arg6[%get3A_403, %get3A_404, %get3A_405] {strides = array<i32>} : memref<8x64x128xf32, #tpu.memory_space<vmem>>, vector<1x1x16xf32>,
      %get3A_407 = vector.shape_cast %get3A_406 : vector<1x1x16xf32> to vector<16xf32>
      %add3A_408 = arith.addf %scan3A_371, %get3A_407 : vector<16xf32>
      %get3A_409 = arith.constant 1 : i32
      %get3A_410 = arith.index_cast %get3A_409 : i32 to index
      %get3A_411 = arith.index_cast %scan3A_366 : i32 to index
      %get3A_412 = arith.constant 80 : index
      %get3A_413 = tpu.vector_load %arg6[%get3A_410, %get3A_411, %get3A_412] {strides = array<i32>} : memref<8x64x128xf32, #tpu.memory_space<vmem>>, vector<1x1x16xf32>,
      %get3A_414 = vector.shape_cast %get3A_413 : vector<1x1x16xf32> to vector<16xf32>
      %add3A_415 = arith.addf %scan3A_372, %get3A_414 : vector<16xf32>
      %get3A_416 = arith.constant 1 : i32
      %get3A_417 = arith.index_cast %get3A_416 : i32 to index
      %get3A_418 = arith.index_cast %scan3A_366 : i32 to index
      %get3A_419 = arith.constant 96 : index
      %get3A_420 = tpu.vector_load %arg6[%get3A_417, %get3A_418, %get3A_419] {strides = array<i32>} : memref<8x64x128xf32, #tpu.memory_space<vmem>>, vector<1x1x16xf32>,
      %get3A_421 = vector.shape_cast %get3A_420 : vector<1x1x16xf32> to vector<16xf32>
      %add3A_422 = arith.addf %scan3A_373, %get3A_421 : vector<16xf32>
      %get3A_423 = arith.constant 1 : i32
      %get3A_424 = arith.index_cast %get3A_423 : i32 to index
      %get3A_425 = arith.index_cast %scan3A_366 : i32 to index
      %get3A_426 = arith.constant 112 : index
      %get3A_427 = tpu.vector_load %arg6[%get3A_424, %get3A_425, %get3A_426] {strides = array<i32>} : memref<8x64x128xf32, #tpu.memory_space<vmem>>, vector<1x1x16xf32>,
      %get3A_428 = vector.shape_cast %get3A_427 : vector<1x1x16xf32> to vector<16xf32>
      %add3A_429 = arith.addf %scan3A_374, %get3A_428 : vector<16xf32>
      scf.yield %add3A_380, %add3A_387, %add3A_394, %add3A_401, %add3A_408, %add3A_415, %add3A_422, %add3A_429 : vector<16xf32>, vector<16xf32>, vector<16xf32>, vector<16xf32>, vector<16xf32>, vector<16xf32>, vector<16xf32>, vector<16xf32>
    }
    %scan3A_238 = arith.constant 64 : i32
    %dma_wait3A_239 = arith.constant 2 : i32
    %dma_wait3A_240 = arith.constant 0 : i32
    %dma_wait3A_241 = arith.constant 0 : i32
    %dma_wait3A_242 = tpu.memref_slice %arg6[%dma_wait3A_239, %dma_wait3A_240, %dma_wait3A_241] : memref<8x64x128xf32, #tpu.memory_space<vmem>> -> memref<1x64x128xf32, #tpu.memory_space<vmem>>
    %dma_wait3A_243 = tpu.memref_squeeze %dma_wait3A_242 : memref<1x64x128xf32, #tpu.memory_space<vmem>> -> memref<64x128xf32, #tpu.memory_space<vmem>>
    %dma_wait3A_244 = arith.constant 128 : i32
    %dma_wait3A_245 = tpu.memref_slice %arg5[%dma_wait3A_244] : memref<512xi32, #tpu.memory_space<vmem>> -> memref<64xi32, #tpu.memory_space<vmem>>
    %dma_wait3A_246 = arith.constant 0 : i32
    %dma_wait3A_247 = arith.constant 0 : i32
    %dma_wait3A_248 = tpu.memref_slice %arg3[%dma_wait3A_246, %dma_wait3A_247] : memref<100000x128xf32, #tpu.memory_space<hbm>> -> memref<100000x128xf32, #tpu.memory_space<hbm>>
    tpu.wait_indirect_dma semaphore(%arg10 : memref<!tpu.dma_semaphore, #tpu.memory_space<semaphore_mem>>) src(%dma_wait3A_248 : memref<100000x128xf32, #tpu.memory_space<hbm>>) dst(%dma_wait3A_243 : memref<64x128xf32, #tpu.memory_space<vmem>>)
    %scan3A_249 = arith.constant 0 : i32
    %scan3A_250 = arith.constant 64 : i32
    %scan3A_251 = arith.addi %scan3A_249, %scan3A_250 : i32
    %scan3A_252 = arith.constant 1 : i32
    %scan3A_253:8 = scf.for %scan3A_366 = %scan3A_249 to %scan3A_251 step %scan3A_252 iter_args(%scan3A_367 = %scan3A_237#0, %scan3A_368 = %scan3A_237#1, %scan3A_369 = %scan3A_237#2, %scan3A_370 = %scan3A_237#3, %scan3A_371 = %scan3A_237#4, %scan3A_372 = %scan3A_237#5, %scan3A_373 = %scan3A_237#6, %scan3A_374 = %scan3A_237#7) -> (vector<16xf32>, vector<16xf32>, vector<16xf32>, vector<16xf32>, vector<16xf32>, vector<16xf32>, vector<16xf32>, vector<16xf32>)  : i32 {
      %get3A = arith.constant 2 : i32
      %get3A_375 = arith.index_cast %get3A : i32 to index
      %get3A_376 = arith.index_cast %scan3A_366 : i32 to index
      %get3A_377 = arith.constant 0 : index
      %get3A_378 = tpu.vector_load %arg6[%get3A_375, %get3A_376, %get3A_377] {strides = array<i32>} : memref<8x64x128xf32, #tpu.memory_space<vmem>>, vector<1x1x16xf32>,
      %get3A_379 = vector.shape_cast %get3A_378 : vector<1x1x16xf32> to vector<16xf32>
      %add3A_380 = arith.addf %scan3A_367, %get3A_379 : vector<16xf32>
      %get3A_381 = arith.constant 2 : i32
      %get3A_382 = arith.index_cast %get3A_381 : i32 to index
      %get3A_383 = arith.index_cast %scan3A_366 : i32 to index
      %get3A_384 = arith.constant 16 : index
      %get3A_385 = tpu.vector_load %arg6[%get3A_382, %get3A_383, %get3A_384] {strides = array<i32>} : memref<8x64x128xf32, #tpu.memory_space<vmem>>, vector<1x1x16xf32>,
      %get3A_386 = vector.shape_cast %get3A_385 : vector<1x1x16xf32> to vector<16xf32>
      %add3A_387 = arith.addf %scan3A_368, %get3A_386 : vector<16xf32>
      %get3A_388 = arith.constant 2 : i32
      %get3A_389 = arith.index_cast %get3A_388 : i32 to index
      %get3A_390 = arith.index_cast %scan3A_366 : i32 to index
      %get3A_391 = arith.constant 32 : index
      %get3A_392 = tpu.vector_load %arg6[%get3A_389, %get3A_390, %get3A_391] {strides = array<i32>} : memref<8x64x128xf32, #tpu.memory_space<vmem>>, vector<1x1x16xf32>,
      %get3A_393 = vector.shape_cast %get3A_392 : vector<1x1x16xf32> to vector<16xf32>
      %add3A_394 = arith.addf %scan3A_369, %get3A_393 : vector<16xf32>
      %get3A_395 = arith.constant 2 : i32
      %get3A_396 = arith.index_cast %get3A_395 : i32 to index
      %get3A_397 = arith.index_cast %scan3A_366 : i32 to index
      %get3A_398 = arith.constant 48 : index
      %get3A_399 = tpu.vector_load %arg6[%get3A_396, %get3A_397, %get3A_398] {strides = array<i32>} : memref<8x64x128xf32, #tpu.memory_space<vmem>>, vector<1x1x16xf32>,
      %get3A_400 = vector.shape_cast %get3A_399 : vector<1x1x16xf32> to vector<16xf32>
      %add3A_401 = arith.addf %scan3A_370, %get3A_400 : vector<16xf32>
      %get3A_402 = arith.constant 2 : i32
      %get3A_403 = arith.index_cast %get3A_402 : i32 to index
      %get3A_404 = arith.index_cast %scan3A_366 : i32 to index
      %get3A_405 = arith.constant 64 : index
      %get3A_406 = tpu.vector_load %arg6[%get3A_403, %get3A_404, %get3A_405] {strides = array<i32>} : memref<8x64x128xf32, #tpu.memory_space<vmem>>, vector<1x1x16xf32>,
      %get3A_407 = vector.shape_cast %get3A_406 : vector<1x1x16xf32> to vector<16xf32>
      %add3A_408 = arith.addf %scan3A_371, %get3A_407 : vector<16xf32>
      %get3A_409 = arith.constant 2 : i32
      %get3A_410 = arith.index_cast %get3A_409 : i32 to index
      %get3A_411 = arith.index_cast %scan3A_366 : i32 to index
      %get3A_412 = arith.constant 80 : index
      %get3A_413 = tpu.vector_load %arg6[%get3A_410, %get3A_411, %get3A_412] {strides = array<i32>} : memref<8x64x128xf32, #tpu.memory_space<vmem>>, vector<1x1x16xf32>,
      %get3A_414 = vector.shape_cast %get3A_413 : vector<1x1x16xf32> to vector<16xf32>
      %add3A_415 = arith.addf %scan3A_372, %get3A_414 : vector<16xf32>
      %get3A_416 = arith.constant 2 : i32
      %get3A_417 = arith.index_cast %get3A_416 : i32 to index
      %get3A_418 = arith.index_cast %scan3A_366 : i32 to index
      %get3A_419 = arith.constant 96 : index
      %get3A_420 = tpu.vector_load %arg6[%get3A_417, %get3A_418, %get3A_419] {strides = array<i32>} : memref<8x64x128xf32, #tpu.memory_space<vmem>>, vector<1x1x16xf32>,
      %get3A_421 = vector.shape_cast %get3A_420 : vector<1x1x16xf32> to vector<16xf32>
      %add3A_422 = arith.addf %scan3A_373, %get3A_421 : vector<16xf32>
      %get3A_423 = arith.constant 2 : i32
      %get3A_424 = arith.index_cast %get3A_423 : i32 to index
      %get3A_425 = arith.index_cast %scan3A_366 : i32 to index
      %get3A_426 = arith.constant 112 : index
      %get3A_427 = tpu.vector_load %arg6[%get3A_424, %get3A_425, %get3A_426] {strides = array<i32>} : memref<8x64x128xf32, #tpu.memory_space<vmem>>, vector<1x1x16xf32>,
      %get3A_428 = vector.shape_cast %get3A_427 : vector<1x1x16xf32> to vector<16xf32>
      %add3A_429 = arith.addf %scan3A_374, %get3A_428 : vector<16xf32>
      scf.yield %add3A_380, %add3A_387, %add3A_394, %add3A_401, %add3A_408, %add3A_415, %add3A_422, %add3A_429 : vector<16xf32>, vector<16xf32>, vector<16xf32>, vector<16xf32>, vector<16xf32>, vector<16xf32>, vector<16xf32>, vector<16xf32>
    }
    %scan3A_254 = arith.constant 64 : i32
    %dma_wait3A_255 = arith.constant 3 : i32
    %dma_wait3A_256 = arith.constant 0 : i32
    %dma_wait3A_257 = arith.constant 0 : i32
    %dma_wait3A_258 = tpu.memref_slice %arg6[%dma_wait3A_255, %dma_wait3A_256, %dma_wait3A_257] : memref<8x64x128xf32, #tpu.memory_space<vmem>> -> memref<1x64x128xf32, #tpu.memory_space<vmem>>
    %dma_wait3A_259 = tpu.memref_squeeze %dma_wait3A_258 : memref<1x64x128xf32, #tpu.memory_space<vmem>> -> memref<64x128xf32, #tpu.memory_space<vmem>>
    %dma_wait3A_260 = arith.constant 192 : i32
    %dma_wait3A_261 = tpu.memref_slice %arg5[%dma_wait3A_260] : memref<512xi32, #tpu.memory_space<vmem>> -> memref<64xi32, #tpu.memory_space<vmem>>
    %dma_wait3A_262 = arith.constant 0 : i32
    %dma_wait3A_263 = arith.constant 0 : i32
    %dma_wait3A_264 = tpu.memref_slice %arg3[%dma_wait3A_262, %dma_wait3A_263] : memref<100000x128xf32, #tpu.memory_space<hbm>> -> memref<100000x128xf32, #tpu.memory_space<hbm>>
    tpu.wait_indirect_dma semaphore(%arg11 : memref<!tpu.dma_semaphore, #tpu.memory_space<semaphore_mem>>) src(%dma_wait3A_264 : memref<100000x128xf32, #tpu.memory_space<hbm>>) dst(%dma_wait3A_259 : memref<64x128xf32, #tpu.memory_space<vmem>>)
    %scan3A_265 = arith.constant 0 : i32
    %scan3A_266 = arith.constant 64 : i32
    %scan3A_267 = arith.addi %scan3A_265, %scan3A_266 : i32
    %scan3A_268 = arith.constant 1 : i32
    %scan3A_269:8 = scf.for %scan3A_366 = %scan3A_265 to %scan3A_267 step %scan3A_268 iter_args(%scan3A_367 = %scan3A_253#0, %scan3A_368 = %scan3A_253#1, %scan3A_369 = %scan3A_253#2, %scan3A_370 = %scan3A_253#3, %scan3A_371 = %scan3A_253#4, %scan3A_372 = %scan3A_253#5, %scan3A_373 = %scan3A_253#6, %scan3A_374 = %scan3A_253#7) -> (vector<16xf32>, vector<16xf32>, vector<16xf32>, vector<16xf32>, vector<16xf32>, vector<16xf32>, vector<16xf32>, vector<16xf32>)  : i32 {
      %get3A = arith.constant 3 : i32
      %get3A_375 = arith.index_cast %get3A : i32 to index
      %get3A_376 = arith.index_cast %scan3A_366 : i32 to index
      %get3A_377 = arith.constant 0 : index
      %get3A_378 = tpu.vector_load %arg6[%get3A_375, %get3A_376, %get3A_377] {strides = array<i32>} : memref<8x64x128xf32, #tpu.memory_space<vmem>>, vector<1x1x16xf32>,
      %get3A_379 = vector.shape_cast %get3A_378 : vector<1x1x16xf32> to vector<16xf32>
      %add3A_380 = arith.addf %scan3A_367, %get3A_379 : vector<16xf32>
      %get3A_381 = arith.constant 3 : i32
      %get3A_382 = arith.index_cast %get3A_381 : i32 to index
      %get3A_383 = arith.index_cast %scan3A_366 : i32 to index
      %get3A_384 = arith.constant 16 : index
      %get3A_385 = tpu.vector_load %arg6[%get3A_382, %get3A_383, %get3A_384] {strides = array<i32>} : memref<8x64x128xf32, #tpu.memory_space<vmem>>, vector<1x1x16xf32>,
      %get3A_386 = vector.shape_cast %get3A_385 : vector<1x1x16xf32> to vector<16xf32>
      %add3A_387 = arith.addf %scan3A_368, %get3A_386 : vector<16xf32>
      %get3A_388 = arith.constant 3 : i32
      %get3A_389 = arith.index_cast %get3A_388 : i32 to index
      %get3A_390 = arith.index_cast %scan3A_366 : i32 to index
      %get3A_391 = arith.constant 32 : index
      %get3A_392 = tpu.vector_load %arg6[%get3A_389, %get3A_390, %get3A_391] {strides = array<i32>} : memref<8x64x128xf32, #tpu.memory_space<vmem>>, vector<1x1x16xf32>,
      %get3A_393 = vector.shape_cast %get3A_392 : vector<1x1x16xf32> to vector<16xf32>
      %add3A_394 = arith.addf %scan3A_369, %get3A_393 : vector<16xf32>
      %get3A_395 = arith.constant 3 : i32
      %get3A_396 = arith.index_cast %get3A_395 : i32 to index
      %get3A_397 = arith.index_cast %scan3A_366 : i32 to index
      %get3A_398 = arith.constant 48 : index
      %get3A_399 = tpu.vector_load %arg6[%get3A_396, %get3A_397, %get3A_398] {strides = array<i32>} : memref<8x64x128xf32, #tpu.memory_space<vmem>>, vector<1x1x16xf32>,
      %get3A_400 = vector.shape_cast %get3A_399 : vector<1x1x16xf32> to vector<16xf32>
      %add3A_401 = arith.addf %scan3A_370, %get3A_400 : vector<16xf32>
      %get3A_402 = arith.constant 3 : i32
      %get3A_403 = arith.index_cast %get3A_402 : i32 to index
      %get3A_404 = arith.index_cast %scan3A_366 : i32 to index
      %get3A_405 = arith.constant 64 : index
      %get3A_406 = tpu.vector_load %arg6[%get3A_403, %get3A_404, %get3A_405] {strides = array<i32>} : memref<8x64x128xf32, #tpu.memory_space<vmem>>, vector<1x1x16xf32>,
      %get3A_407 = vector.shape_cast %get3A_406 : vector<1x1x16xf32> to vector<16xf32>
      %add3A_408 = arith.addf %scan3A_371, %get3A_407 : vector<16xf32>
      %get3A_409 = arith.constant 3 : i32
      %get3A_410 = arith.index_cast %get3A_409 : i32 to index
      %get3A_411 = arith.index_cast %scan3A_366 : i32 to index
      %get3A_412 = arith.constant 80 : index
      %get3A_413 = tpu.vector_load %arg6[%get3A_410, %get3A_411, %get3A_412] {strides = array<i32>} : memref<8x64x128xf32, #tpu.memory_space<vmem>>, vector<1x1x16xf32>,
      %get3A_414 = vector.shape_cast %get3A_413 : vector<1x1x16xf32> to vector<16xf32>
      %add3A_415 = arith.addf %scan3A_372, %get3A_414 : vector<16xf32>
      %get3A_416 = arith.constant 3 : i32
      %get3A_417 = arith.index_cast %get3A_416 : i32 to index
      %get3A_418 = arith.index_cast %scan3A_366 : i32 to index
      %get3A_419 = arith.constant 96 : index
      %get3A_420 = tpu.vector_load %arg6[%get3A_417, %get3A_418, %get3A_419] {strides = array<i32>} : memref<8x64x128xf32, #tpu.memory_space<vmem>>, vector<1x1x16xf32>,
      %get3A_421 = vector.shape_cast %get3A_420 : vector<1x1x16xf32> to vector<16xf32>
      %add3A_422 = arith.addf %scan3A_373, %get3A_421 : vector<16xf32>
      %get3A_423 = arith.constant 3 : i32
      %get3A_424 = arith.index_cast %get3A_423 : i32 to index
      %get3A_425 = arith.index_cast %scan3A_366 : i32 to index
      %get3A_426 = arith.constant 112 : index
      %get3A_427 = tpu.vector_load %arg6[%get3A_424, %get3A_425, %get3A_426] {strides = array<i32>} : memref<8x64x128xf32, #tpu.memory_space<vmem>>, vector<1x1x16xf32>,
      %get3A_428 = vector.shape_cast %get3A_427 : vector<1x1x16xf32> to vector<16xf32>
      %add3A_429 = arith.addf %scan3A_374, %get3A_428 : vector<16xf32>
      scf.yield %add3A_380, %add3A_387, %add3A_394, %add3A_401, %add3A_408, %add3A_415, %add3A_422, %add3A_429 : vector<16xf32>, vector<16xf32>, vector<16xf32>, vector<16xf32>, vector<16xf32>, vector<16xf32>, vector<16xf32>, vector<16xf32>
    }
    %scan3A_270 = arith.constant 64 : i32
    %dma_wait3A_271 = arith.constant 4 : i32
    %dma_wait3A_272 = arith.constant 0 : i32
    %dma_wait3A_273 = arith.constant 0 : i32
    %dma_wait3A_274 = tpu.memref_slice %arg6[%dma_wait3A_271, %dma_wait3A_272, %dma_wait3A_273] : memref<8x64x128xf32, #tpu.memory_space<vmem>> -> memref<1x64x128xf32, #tpu.memory_space<vmem>>
    %dma_wait3A_275 = tpu.memref_squeeze %dma_wait3A_274 : memref<1x64x128xf32, #tpu.memory_space<vmem>> -> memref<64x128xf32, #tpu.memory_space<vmem>>
    %dma_wait3A_276 = arith.constant 256 : i32
    %dma_wait3A_277 = tpu.memref_slice %arg5[%dma_wait3A_276] : memref<512xi32, #tpu.memory_space<vmem>> -> memref<64xi32, #tpu.memory_space<vmem>>
    %dma_wait3A_278 = arith.constant 0 : i32
    %dma_wait3A_279 = arith.constant 0 : i32
    %dma_wait3A_280 = tpu.memref_slice %arg3[%dma_wait3A_278, %dma_wait3A_279] : memref<100000x128xf32, #tpu.memory_space<hbm>> -> memref<100000x128xf32, #tpu.memory_space<hbm>>
    tpu.wait_indirect_dma semaphore(%arg12 : memref<!tpu.dma_semaphore, #tpu.memory_space<semaphore_mem>>) src(%dma_wait3A_280 : memref<100000x128xf32, #tpu.memory_space<hbm>>) dst(%dma_wait3A_275 : memref<64x128xf32, #tpu.memory_space<vmem>>)
    %scan3A_281 = arith.constant 0 : i32
    %scan3A_282 = arith.constant 64 : i32
    %scan3A_283 = arith.addi %scan3A_281, %scan3A_282 : i32
    %scan3A_284 = arith.constant 1 : i32
    %scan3A_285:8 = scf.for %scan3A_366 = %scan3A_281 to %scan3A_283 step %scan3A_284 iter_args(%scan3A_367 = %scan3A_269#0, %scan3A_368 = %scan3A_269#1, %scan3A_369 = %scan3A_269#2, %scan3A_370 = %scan3A_269#3, %scan3A_371 = %scan3A_269#4, %scan3A_372 = %scan3A_269#5, %scan3A_373 = %scan3A_269#6, %scan3A_374 = %scan3A_269#7) -> (vector<16xf32>, vector<16xf32>, vector<16xf32>, vector<16xf32>, vector<16xf32>, vector<16xf32>, vector<16xf32>, vector<16xf32>)  : i32 {
      %get3A = arith.constant 4 : i32
      %get3A_375 = arith.index_cast %get3A : i32 to index
      %get3A_376 = arith.index_cast %scan3A_366 : i32 to index
      %get3A_377 = arith.constant 0 : index
      %get3A_378 = tpu.vector_load %arg6[%get3A_375, %get3A_376, %get3A_377] {strides = array<i32>} : memref<8x64x128xf32, #tpu.memory_space<vmem>>, vector<1x1x16xf32>,
      %get3A_379 = vector.shape_cast %get3A_378 : vector<1x1x16xf32> to vector<16xf32>
      %add3A_380 = arith.addf %scan3A_367, %get3A_379 : vector<16xf32>
      %get3A_381 = arith.constant 4 : i32
      %get3A_382 = arith.index_cast %get3A_381 : i32 to index
      %get3A_383 = arith.index_cast %scan3A_366 : i32 to index
      %get3A_384 = arith.constant 16 : index
      %get3A_385 = tpu.vector_load %arg6[%get3A_382, %get3A_383, %get3A_384] {strides = array<i32>} : memref<8x64x128xf32, #tpu.memory_space<vmem>>, vector<1x1x16xf32>,
      %get3A_386 = vector.shape_cast %get3A_385 : vector<1x1x16xf32> to vector<16xf32>
      %add3A_387 = arith.addf %scan3A_368, %get3A_386 : vector<16xf32>
      %get3A_388 = arith.constant 4 : i32
      %get3A_389 = arith.index_cast %get3A_388 : i32 to index
      %get3A_390 = arith.index_cast %scan3A_366 : i32 to index
      %get3A_391 = arith.constant 32 : index
      %get3A_392 = tpu.vector_load %arg6[%get3A_389, %get3A_390, %get3A_391] {strides = array<i32>} : memref<8x64x128xf32, #tpu.memory_space<vmem>>, vector<1x1x16xf32>,
      %get3A_393 = vector.shape_cast %get3A_392 : vector<1x1x16xf32> to vector<16xf32>
      %add3A_394 = arith.addf %scan3A_369, %get3A_393 : vector<16xf32>
      %get3A_395 = arith.constant 4 : i32
      %get3A_396 = arith.index_cast %get3A_395 : i32 to index
      %get3A_397 = arith.index_cast %scan3A_366 : i32 to index
      %get3A_398 = arith.constant 48 : index
      %get3A_399 = tpu.vector_load %arg6[%get3A_396, %get3A_397, %get3A_398] {strides = array<i32>} : memref<8x64x128xf32, #tpu.memory_space<vmem>>, vector<1x1x16xf32>,
      %get3A_400 = vector.shape_cast %get3A_399 : vector<1x1x16xf32> to vector<16xf32>
      %add3A_401 = arith.addf %scan3A_370, %get3A_400 : vector<16xf32>
      %get3A_402 = arith.constant 4 : i32
      %get3A_403 = arith.index_cast %get3A_402 : i32 to index
      %get3A_404 = arith.index_cast %scan3A_366 : i32 to index
      %get3A_405 = arith.constant 64 : index
      %get3A_406 = tpu.vector_load %arg6[%get3A_403, %get3A_404, %get3A_405] {strides = array<i32>} : memref<8x64x128xf32, #tpu.memory_space<vmem>>, vector<1x1x16xf32>,
      %get3A_407 = vector.shape_cast %get3A_406 : vector<1x1x16xf32> to vector<16xf32>
      %add3A_408 = arith.addf %scan3A_371, %get3A_407 : vector<16xf32>
      %get3A_409 = arith.constant 4 : i32
      %get3A_410 = arith.index_cast %get3A_409 : i32 to index
      %get3A_411 = arith.index_cast %scan3A_366 : i32 to index
      %get3A_412 = arith.constant 80 : index
      %get3A_413 = tpu.vector_load %arg6[%get3A_410, %get3A_411, %get3A_412] {strides = array<i32>} : memref<8x64x128xf32, #tpu.memory_space<vmem>>, vector<1x1x16xf32>,
      %get3A_414 = vector.shape_cast %get3A_413 : vector<1x1x16xf32> to vector<16xf32>
      %add3A_415 = arith.addf %scan3A_372, %get3A_414 : vector<16xf32>
      %get3A_416 = arith.constant 4 : i32
      %get3A_417 = arith.index_cast %get3A_416 : i32 to index
      %get3A_418 = arith.index_cast %scan3A_366 : i32 to index
      %get3A_419 = arith.constant 96 : index
      %get3A_420 = tpu.vector_load %arg6[%get3A_417, %get3A_418, %get3A_419] {strides = array<i32>} : memref<8x64x128xf32, #tpu.memory_space<vmem>>, vector<1x1x16xf32>,
      %get3A_421 = vector.shape_cast %get3A_420 : vector<1x1x16xf32> to vector<16xf32>
      %add3A_422 = arith.addf %scan3A_373, %get3A_421 : vector<16xf32>
      %get3A_423 = arith.constant 4 : i32
      %get3A_424 = arith.index_cast %get3A_423 : i32 to index
      %get3A_425 = arith.index_cast %scan3A_366 : i32 to index
      %get3A_426 = arith.constant 112 : index
      %get3A_427 = tpu.vector_load %arg6[%get3A_424, %get3A_425, %get3A_426] {strides = array<i32>} : memref<8x64x128xf32, #tpu.memory_space<vmem>>, vector<1x1x16xf32>,
      %get3A_428 = vector.shape_cast %get3A_427 : vector<1x1x16xf32> to vector<16xf32>
      %add3A_429 = arith.addf %scan3A_374, %get3A_428 : vector<16xf32>
      scf.yield %add3A_380, %add3A_387, %add3A_394, %add3A_401, %add3A_408, %add3A_415, %add3A_422, %add3A_429 : vector<16xf32>, vector<16xf32>, vector<16xf32>, vector<16xf32>, vector<16xf32>, vector<16xf32>, vector<16xf32>, vector<16xf32>
    }
    %scan3A_286 = arith.constant 64 : i32
    %dma_wait3A_287 = arith.constant 5 : i32
    %dma_wait3A_288 = arith.constant 0 : i32
    %dma_wait3A_289 = arith.constant 0 : i32
    %dma_wait3A_290 = tpu.memref_slice %arg6[%dma_wait3A_287, %dma_wait3A_288, %dma_wait3A_289] : memref<8x64x128xf32, #tpu.memory_space<vmem>> -> memref<1x64x128xf32, #tpu.memory_space<vmem>>
    %dma_wait3A_291 = tpu.memref_squeeze %dma_wait3A_290 : memref<1x64x128xf32, #tpu.memory_space<vmem>> -> memref<64x128xf32, #tpu.memory_space<vmem>>
    %dma_wait3A_292 = arith.constant 320 : i32
    %dma_wait3A_293 = tpu.memref_slice %arg5[%dma_wait3A_292] : memref<512xi32, #tpu.memory_space<vmem>> -> memref<64xi32, #tpu.memory_space<vmem>>
    %dma_wait3A_294 = arith.constant 0 : i32
    %dma_wait3A_295 = arith.constant 0 : i32
    %dma_wait3A_296 = tpu.memref_slice %arg3[%dma_wait3A_294, %dma_wait3A_295] : memref<100000x128xf32, #tpu.memory_space<hbm>> -> memref<100000x128xf32, #tpu.memory_space<hbm>>
    tpu.wait_indirect_dma semaphore(%arg13 : memref<!tpu.dma_semaphore, #tpu.memory_space<semaphore_mem>>) src(%dma_wait3A_296 : memref<100000x128xf32, #tpu.memory_space<hbm>>) dst(%dma_wait3A_291 : memref<64x128xf32, #tpu.memory_space<vmem>>)
    %scan3A_297 = arith.constant 0 : i32
    %scan3A_298 = arith.constant 64 : i32
    %scan3A_299 = arith.addi %scan3A_297, %scan3A_298 : i32
    %scan3A_300 = arith.constant 1 : i32
    %scan3A_301:8 = scf.for %scan3A_366 = %scan3A_297 to %scan3A_299 step %scan3A_300 iter_args(%scan3A_367 = %scan3A_285#0, %scan3A_368 = %scan3A_285#1, %scan3A_369 = %scan3A_285#2, %scan3A_370 = %scan3A_285#3, %scan3A_371 = %scan3A_285#4, %scan3A_372 = %scan3A_285#5, %scan3A_373 = %scan3A_285#6, %scan3A_374 = %scan3A_285#7) -> (vector<16xf32>, vector<16xf32>, vector<16xf32>, vector<16xf32>, vector<16xf32>, vector<16xf32>, vector<16xf32>, vector<16xf32>)  : i32 {
      %get3A = arith.constant 5 : i32
      %get3A_375 = arith.index_cast %get3A : i32 to index
      %get3A_376 = arith.index_cast %scan3A_366 : i32 to index
      %get3A_377 = arith.constant 0 : index
      %get3A_378 = tpu.vector_load %arg6[%get3A_375, %get3A_376, %get3A_377] {strides = array<i32>} : memref<8x64x128xf32, #tpu.memory_space<vmem>>, vector<1x1x16xf32>,
      %get3A_379 = vector.shape_cast %get3A_378 : vector<1x1x16xf32> to vector<16xf32>
      %add3A_380 = arith.addf %scan3A_367, %get3A_379 : vector<16xf32>
      %get3A_381 = arith.constant 5 : i32
      %get3A_382 = arith.index_cast %get3A_381 : i32 to index
      %get3A_383 = arith.index_cast %scan3A_366 : i32 to index
      %get3A_384 = arith.constant 16 : index
      %get3A_385 = tpu.vector_load %arg6[%get3A_382, %get3A_383, %get3A_384] {strides = array<i32>} : memref<8x64x128xf32, #tpu.memory_space<vmem>>, vector<1x1x16xf32>,
      %get3A_386 = vector.shape_cast %get3A_385 : vector<1x1x16xf32> to vector<16xf32>
      %add3A_387 = arith.addf %scan3A_368, %get3A_386 : vector<16xf32>
      %get3A_388 = arith.constant 5 : i32
      %get3A_389 = arith.index_cast %get3A_388 : i32 to index
      %get3A_390 = arith.index_cast %scan3A_366 : i32 to index
      %get3A_391 = arith.constant 32 : index
      %get3A_392 = tpu.vector_load %arg6[%get3A_389, %get3A_390, %get3A_391] {strides = array<i32>} : memref<8x64x128xf32, #tpu.memory_space<vmem>>, vector<1x1x16xf32>,
      %get3A_393 = vector.shape_cast %get3A_392 : vector<1x1x16xf32> to vector<16xf32>
      %add3A_394 = arith.addf %scan3A_369, %get3A_393 : vector<16xf32>
      %get3A_395 = arith.constant 5 : i32
      %get3A_396 = arith.index_cast %get3A_395 : i32 to index
      %get3A_397 = arith.index_cast %scan3A_366 : i32 to index
      %get3A_398 = arith.constant 48 : index
      %get3A_399 = tpu.vector_load %arg6[%get3A_396, %get3A_397, %get3A_398] {strides = array<i32>} : memref<8x64x128xf32, #tpu.memory_space<vmem>>, vector<1x1x16xf32>,
      %get3A_400 = vector.shape_cast %get3A_399 : vector<1x1x16xf32> to vector<16xf32>
      %add3A_401 = arith.addf %scan3A_370, %get3A_400 : vector<16xf32>
      %get3A_402 = arith.constant 5 : i32
      %get3A_403 = arith.index_cast %get3A_402 : i32 to index
      %get3A_404 = arith.index_cast %scan3A_366 : i32 to index
      %get3A_405 = arith.constant 64 : index
      %get3A_406 = tpu.vector_load %arg6[%get3A_403, %get3A_404, %get3A_405] {strides = array<i32>} : memref<8x64x128xf32, #tpu.memory_space<vmem>>, vector<1x1x16xf32>,
      %get3A_407 = vector.shape_cast %get3A_406 : vector<1x1x16xf32> to vector<16xf32>
      %add3A_408 = arith.addf %scan3A_371, %get3A_407 : vector<16xf32>
      %get3A_409 = arith.constant 5 : i32
      %get3A_410 = arith.index_cast %get3A_409 : i32 to index
      %get3A_411 = arith.index_cast %scan3A_366 : i32 to index
      %get3A_412 = arith.constant 80 : index
      %get3A_413 = tpu.vector_load %arg6[%get3A_410, %get3A_411, %get3A_412] {strides = array<i32>} : memref<8x64x128xf32, #tpu.memory_space<vmem>>, vector<1x1x16xf32>,
      %get3A_414 = vector.shape_cast %get3A_413 : vector<1x1x16xf32> to vector<16xf32>
      %add3A_415 = arith.addf %scan3A_372, %get3A_414 : vector<16xf32>
      %get3A_416 = arith.constant 5 : i32
      %get3A_417 = arith.index_cast %get3A_416 : i32 to index
      %get3A_418 = arith.index_cast %scan3A_366 : i32 to index
      %get3A_419 = arith.constant 96 : index
      %get3A_420 = tpu.vector_load %arg6[%get3A_417, %get3A_418, %get3A_419] {strides = array<i32>} : memref<8x64x128xf32, #tpu.memory_space<vmem>>, vector<1x1x16xf32>,
      %get3A_421 = vector.shape_cast %get3A_420 : vector<1x1x16xf32> to vector<16xf32>
      %add3A_422 = arith.addf %scan3A_373, %get3A_421 : vector<16xf32>
      %get3A_423 = arith.constant 5 : i32
      %get3A_424 = arith.index_cast %get3A_423 : i32 to index
      %get3A_425 = arith.index_cast %scan3A_366 : i32 to index
      %get3A_426 = arith.constant 112 : index
      %get3A_427 = tpu.vector_load %arg6[%get3A_424, %get3A_425, %get3A_426] {strides = array<i32>} : memref<8x64x128xf32, #tpu.memory_space<vmem>>, vector<1x1x16xf32>,
      %get3A_428 = vector.shape_cast %get3A_427 : vector<1x1x16xf32> to vector<16xf32>
      %add3A_429 = arith.addf %scan3A_374, %get3A_428 : vector<16xf32>
      scf.yield %add3A_380, %add3A_387, %add3A_394, %add3A_401, %add3A_408, %add3A_415, %add3A_422, %add3A_429 : vector<16xf32>, vector<16xf32>, vector<16xf32>, vector<16xf32>, vector<16xf32>, vector<16xf32>, vector<16xf32>, vector<16xf32>
    }
    %scan3A_302 = arith.constant 64 : i32
    %dma_wait3A_303 = arith.constant 6 : i32
    %dma_wait3A_304 = arith.constant 0 : i32
    %dma_wait3A_305 = arith.constant 0 : i32
    %dma_wait3A_306 = tpu.memref_slice %arg6[%dma_wait3A_303, %dma_wait3A_304, %dma_wait3A_305] : memref<8x64x128xf32, #tpu.memory_space<vmem>> -> memref<1x64x128xf32, #tpu.memory_space<vmem>>
    %dma_wait3A_307 = tpu.memref_squeeze %dma_wait3A_306 : memref<1x64x128xf32, #tpu.memory_space<vmem>> -> memref<64x128xf32, #tpu.memory_space<vmem>>
    %dma_wait3A_308 = arith.constant 384 : i32
    %dma_wait3A_309 = tpu.memref_slice %arg5[%dma_wait3A_308] : memref<512xi32, #tpu.memory_space<vmem>> -> memref<64xi32, #tpu.memory_space<vmem>>
    %dma_wait3A_310 = arith.constant 0 : i32
    %dma_wait3A_311 = arith.constant 0 : i32
    %dma_wait3A_312 = tpu.memref_slice %arg3[%dma_wait3A_310, %dma_wait3A_311] : memref<100000x128xf32, #tpu.memory_space<hbm>> -> memref<100000x128xf32, #tpu.memory_space<hbm>>
    tpu.wait_indirect_dma semaphore(%arg14 : memref<!tpu.dma_semaphore, #tpu.memory_space<semaphore_mem>>) src(%dma_wait3A_312 : memref<100000x128xf32, #tpu.memory_space<hbm>>) dst(%dma_wait3A_307 : memref<64x128xf32, #tpu.memory_space<vmem>>)
    %scan3A_313 = arith.constant 0 : i32
    %scan3A_314 = arith.constant 64 : i32
    %scan3A_315 = arith.addi %scan3A_313, %scan3A_314 : i32
    %scan3A_316 = arith.constant 1 : i32
    %scan3A_317:8 = scf.for %scan3A_366 = %scan3A_313 to %scan3A_315 step %scan3A_316 iter_args(%scan3A_367 = %scan3A_301#0, %scan3A_368 = %scan3A_301#1, %scan3A_369 = %scan3A_301#2, %scan3A_370 = %scan3A_301#3, %scan3A_371 = %scan3A_301#4, %scan3A_372 = %scan3A_301#5, %scan3A_373 = %scan3A_301#6, %scan3A_374 = %scan3A_301#7) -> (vector<16xf32>, vector<16xf32>, vector<16xf32>, vector<16xf32>, vector<16xf32>, vector<16xf32>, vector<16xf32>, vector<16xf32>)  : i32 {
      %get3A = arith.constant 6 : i32
      %get3A_375 = arith.index_cast %get3A : i32 to index
      %get3A_376 = arith.index_cast %scan3A_366 : i32 to index
      %get3A_377 = arith.constant 0 : index
      %get3A_378 = tpu.vector_load %arg6[%get3A_375, %get3A_376, %get3A_377] {strides = array<i32>} : memref<8x64x128xf32, #tpu.memory_space<vmem>>, vector<1x1x16xf32>,
      %get3A_379 = vector.shape_cast %get3A_378 : vector<1x1x16xf32> to vector<16xf32>
      %add3A_380 = arith.addf %scan3A_367, %get3A_379 : vector<16xf32>
      %get3A_381 = arith.constant 6 : i32
      %get3A_382 = arith.index_cast %get3A_381 : i32 to index
      %get3A_383 = arith.index_cast %scan3A_366 : i32 to index
      %get3A_384 = arith.constant 16 : index
      %get3A_385 = tpu.vector_load %arg6[%get3A_382, %get3A_383, %get3A_384] {strides = array<i32>} : memref<8x64x128xf32, #tpu.memory_space<vmem>>, vector<1x1x16xf32>,
      %get3A_386 = vector.shape_cast %get3A_385 : vector<1x1x16xf32> to vector<16xf32>
      %add3A_387 = arith.addf %scan3A_368, %get3A_386 : vector<16xf32>
      %get3A_388 = arith.constant 6 : i32
      %get3A_389 = arith.index_cast %get3A_388 : i32 to index
      %get3A_390 = arith.index_cast %scan3A_366 : i32 to index
      %get3A_391 = arith.constant 32 : index
      %get3A_392 = tpu.vector_load %arg6[%get3A_389, %get3A_390, %get3A_391] {strides = array<i32>} : memref<8x64x128xf32, #tpu.memory_space<vmem>>, vector<1x1x16xf32>,
      %get3A_393 = vector.shape_cast %get3A_392 : vector<1x1x16xf32> to vector<16xf32>
      %add3A_394 = arith.addf %scan3A_369, %get3A_393 : vector<16xf32>
      %get3A_395 = arith.constant 6 : i32
      %get3A_396 = arith.index_cast %get3A_395 : i32 to index
      %get3A_397 = arith.index_cast %scan3A_366 : i32 to index
      %get3A_398 = arith.constant 48 : index
      %get3A_399 = tpu.vector_load %arg6[%get3A_396, %get3A_397, %get3A_398] {strides = array<i32>} : memref<8x64x128xf32, #tpu.memory_space<vmem>>, vector<1x1x16xf32>,
      %get3A_400 = vector.shape_cast %get3A_399 : vector<1x1x16xf32> to vector<16xf32>
      %add3A_401 = arith.addf %scan3A_370, %get3A_400 : vector<16xf32>
      %get3A_402 = arith.constant 6 : i32
      %get3A_403 = arith.index_cast %get3A_402 : i32 to index
      %get3A_404 = arith.index_cast %scan3A_366 : i32 to index
      %get3A_405 = arith.constant 64 : index
      %get3A_406 = tpu.vector_load %arg6[%get3A_403, %get3A_404, %get3A_405] {strides = array<i32>} : memref<8x64x128xf32, #tpu.memory_space<vmem>>, vector<1x1x16xf32>,
      %get3A_407 = vector.shape_cast %get3A_406 : vector<1x1x16xf32> to vector<16xf32>
      %add3A_408 = arith.addf %scan3A_371, %get3A_407 : vector<16xf32>
      %get3A_409 = arith.constant 6 : i32
      %get3A_410 = arith.index_cast %get3A_409 : i32 to index
      %get3A_411 = arith.index_cast %scan3A_366 : i32 to index
      %get3A_412 = arith.constant 80 : index
      %get3A_413 = tpu.vector_load %arg6[%get3A_410, %get3A_411, %get3A_412] {strides = array<i32>} : memref<8x64x128xf32, #tpu.memory_space<vmem>>, vector<1x1x16xf32>,
      %get3A_414 = vector.shape_cast %get3A_413 : vector<1x1x16xf32> to vector<16xf32>
      %add3A_415 = arith.addf %scan3A_372, %get3A_414 : vector<16xf32>
      %get3A_416 = arith.constant 6 : i32
      %get3A_417 = arith.index_cast %get3A_416 : i32 to index
      %get3A_418 = arith.index_cast %scan3A_366 : i32 to index
      %get3A_419 = arith.constant 96 : index
      %get3A_420 = tpu.vector_load %arg6[%get3A_417, %get3A_418, %get3A_419] {strides = array<i32>} : memref<8x64x128xf32, #tpu.memory_space<vmem>>, vector<1x1x16xf32>,
      %get3A_421 = vector.shape_cast %get3A_420 : vector<1x1x16xf32> to vector<16xf32>
      %add3A_422 = arith.addf %scan3A_373, %get3A_421 : vector<16xf32>
      %get3A_423 = arith.constant 6 : i32
      %get3A_424 = arith.index_cast %get3A_423 : i32 to index
      %get3A_425 = arith.index_cast %scan3A_366 : i32 to index
      %get3A_426 = arith.constant 112 : index
      %get3A_427 = tpu.vector_load %arg6[%get3A_424, %get3A_425, %get3A_426] {strides = array<i32>} : memref<8x64x128xf32, #tpu.memory_space<vmem>>, vector<1x1x16xf32>,
      %get3A_428 = vector.shape_cast %get3A_427 : vector<1x1x16xf32> to vector<16xf32>
      %add3A_429 = arith.addf %scan3A_374, %get3A_428 : vector<16xf32>
      scf.yield %add3A_380, %add3A_387, %add3A_394, %add3A_401, %add3A_408, %add3A_415, %add3A_422, %add3A_429 : vector<16xf32>, vector<16xf32>, vector<16xf32>, vector<16xf32>, vector<16xf32>, vector<16xf32>, vector<16xf32>, vector<16xf32>
    }
    %scan3A_318 = arith.constant 64 : i32
    %dma_wait3A_319 = arith.constant 7 : i32
    %dma_wait3A_320 = arith.constant 0 : i32
    %dma_wait3A_321 = arith.constant 0 : i32
    %dma_wait3A_322 = tpu.memref_slice %arg6[%dma_wait3A_319, %dma_wait3A_320, %dma_wait3A_321] : memref<8x64x128xf32, #tpu.memory_space<vmem>> -> memref<1x64x128xf32, #tpu.memory_space<vmem>>
    %dma_wait3A_323 = tpu.memref_squeeze %dma_wait3A_322 : memref<1x64x128xf32, #tpu.memory_space<vmem>> -> memref<64x128xf32, #tpu.memory_space<vmem>>
    %dma_wait3A_324 = arith.constant 448 : i32
    %dma_wait3A_325 = tpu.memref_slice %arg5[%dma_wait3A_324] : memref<512xi32, #tpu.memory_space<vmem>> -> memref<64xi32, #tpu.memory_space<vmem>>
    %dma_wait3A_326 = arith.constant 0 : i32
    %dma_wait3A_327 = arith.constant 0 : i32
    %dma_wait3A_328 = tpu.memref_slice %arg3[%dma_wait3A_326, %dma_wait3A_327] : memref<100000x128xf32, #tpu.memory_space<hbm>> -> memref<100000x128xf32, #tpu.memory_space<hbm>>
    tpu.wait_indirect_dma semaphore(%arg15 : memref<!tpu.dma_semaphore, #tpu.memory_space<semaphore_mem>>) src(%dma_wait3A_328 : memref<100000x128xf32, #tpu.memory_space<hbm>>) dst(%dma_wait3A_323 : memref<64x128xf32, #tpu.memory_space<vmem>>)
    %scan3A_329 = arith.constant 0 : i32
    %scan3A_330 = arith.constant 64 : i32
    %scan3A_331 = arith.addi %scan3A_329, %scan3A_330 : i32
    %scan3A_332 = arith.constant 1 : i32
    %scan3A_333:8 = scf.for %scan3A_366 = %scan3A_329 to %scan3A_331 step %scan3A_332 iter_args(%scan3A_367 = %scan3A_317#0, %scan3A_368 = %scan3A_317#1, %scan3A_369 = %scan3A_317#2, %scan3A_370 = %scan3A_317#3, %scan3A_371 = %scan3A_317#4, %scan3A_372 = %scan3A_317#5, %scan3A_373 = %scan3A_317#6, %scan3A_374 = %scan3A_317#7) -> (vector<16xf32>, vector<16xf32>, vector<16xf32>, vector<16xf32>, vector<16xf32>, vector<16xf32>, vector<16xf32>, vector<16xf32>)  : i32 {
      %get3A = arith.constant 7 : i32
      %get3A_375 = arith.index_cast %get3A : i32 to index
      %get3A_376 = arith.index_cast %scan3A_366 : i32 to index
      %get3A_377 = arith.constant 0 : index
      %get3A_378 = tpu.vector_load %arg6[%get3A_375, %get3A_376, %get3A_377] {strides = array<i32>} : memref<8x64x128xf32, #tpu.memory_space<vmem>>, vector<1x1x16xf32>,
      %get3A_379 = vector.shape_cast %get3A_378 : vector<1x1x16xf32> to vector<16xf32>
      %add3A_380 = arith.addf %scan3A_367, %get3A_379 : vector<16xf32>
      %get3A_381 = arith.constant 7 : i32
      %get3A_382 = arith.index_cast %get3A_381 : i32 to index
      %get3A_383 = arith.index_cast %scan3A_366 : i32 to index
      %get3A_384 = arith.constant 16 : index
      %get3A_385 = tpu.vector_load %arg6[%get3A_382, %get3A_383, %get3A_384] {strides = array<i32>} : memref<8x64x128xf32, #tpu.memory_space<vmem>>, vector<1x1x16xf32>,
      %get3A_386 = vector.shape_cast %get3A_385 : vector<1x1x16xf32> to vector<16xf32>
      %add3A_387 = arith.addf %scan3A_368, %get3A_386 : vector<16xf32>
      %get3A_388 = arith.constant 7 : i32
      %get3A_389 = arith.index_cast %get3A_388 : i32 to index
      %get3A_390 = arith.index_cast %scan3A_366 : i32 to index
      %get3A_391 = arith.constant 32 : index
      %get3A_392 = tpu.vector_load %arg6[%get3A_389, %get3A_390, %get3A_391] {strides = array<i32>} : memref<8x64x128xf32, #tpu.memory_space<vmem>>, vector<1x1x16xf32>,
      %get3A_393 = vector.shape_cast %get3A_392 : vector<1x1x16xf32> to vector<16xf32>
      %add3A_394 = arith.addf %scan3A_369, %get3A_393 : vector<16xf32>
      %get3A_395 = arith.constant 7 : i32
      %get3A_396 = arith.index_cast %get3A_395 : i32 to index
      %get3A_397 = arith.index_cast %scan3A_366 : i32 to index
      %get3A_398 = arith.constant 48 : index
      %get3A_399 = tpu.vector_load %arg6[%get3A_396, %get3A_397, %get3A_398] {strides = array<i32>} : memref<8x64x128xf32, #tpu.memory_space<vmem>>, vector<1x1x16xf32>,
      %get3A_400 = vector.shape_cast %get3A_399 : vector<1x1x16xf32> to vector<16xf32>
      %add3A_401 = arith.addf %scan3A_370, %get3A_400 : vector<16xf32>
      %get3A_402 = arith.constant 7 : i32
      %get3A_403 = arith.index_cast %get3A_402 : i32 to index
      %get3A_404 = arith.index_cast %scan3A_366 : i32 to index
      %get3A_405 = arith.constant 64 : index
      %get3A_406 = tpu.vector_load %arg6[%get3A_403, %get3A_404, %get3A_405] {strides = array<i32>} : memref<8x64x128xf32, #tpu.memory_space<vmem>>, vector<1x1x16xf32>,
      %get3A_407 = vector.shape_cast %get3A_406 : vector<1x1x16xf32> to vector<16xf32>
      %add3A_408 = arith.addf %scan3A_371, %get3A_407 : vector<16xf32>
      %get3A_409 = arith.constant 7 : i32
      %get3A_410 = arith.index_cast %get3A_409 : i32 to index
      %get3A_411 = arith.index_cast %scan3A_366 : i32 to index
      %get3A_412 = arith.constant 80 : index
      %get3A_413 = tpu.vector_load %arg6[%get3A_410, %get3A_411, %get3A_412] {strides = array<i32>} : memref<8x64x128xf32, #tpu.memory_space<vmem>>, vector<1x1x16xf32>,
      %get3A_414 = vector.shape_cast %get3A_413 : vector<1x1x16xf32> to vector<16xf32>
      %add3A_415 = arith.addf %scan3A_372, %get3A_414 : vector<16xf32>
      %get3A_416 = arith.constant 7 : i32
      %get3A_417 = arith.index_cast %get3A_416 : i32 to index
      %get3A_418 = arith.index_cast %scan3A_366 : i32 to index
      %get3A_419 = arith.constant 96 : index
      %get3A_420 = tpu.vector_load %arg6[%get3A_417, %get3A_418, %get3A_419] {strides = array<i32>} : memref<8x64x128xf32, #tpu.memory_space<vmem>>, vector<1x1x16xf32>,
      %get3A_421 = vector.shape_cast %get3A_420 : vector<1x1x16xf32> to vector<16xf32>
      %add3A_422 = arith.addf %scan3A_373, %get3A_421 : vector<16xf32>
      %get3A_423 = arith.constant 7 : i32
      %get3A_424 = arith.index_cast %get3A_423 : i32 to index
      %get3A_425 = arith.index_cast %scan3A_366 : i32 to index
      %get3A_426 = arith.constant 112 : index
      %get3A_427 = tpu.vector_load %arg6[%get3A_424, %get3A_425, %get3A_426] {strides = array<i32>} : memref<8x64x128xf32, #tpu.memory_space<vmem>>, vector<1x1x16xf32>,
      %get3A_428 = vector.shape_cast %get3A_427 : vector<1x1x16xf32> to vector<16xf32>
      %add3A_429 = arith.addf %scan3A_374, %get3A_428 : vector<16xf32>
      scf.yield %add3A_380, %add3A_387, %add3A_394, %add3A_401, %add3A_408, %add3A_415, %add3A_422, %add3A_429 : vector<16xf32>, vector<16xf32>, vector<16xf32>, vector<16xf32>, vector<16xf32>, vector<16xf32>, vector<16xf32>, vector<16xf32>
    }
    %scan3A_334 = arith.constant 64 : i32
    %swap3A = arith.constant 0 : index
    %swap3A_335 = tpu.vector_load %arg7[%swap3A] {strides = array<i32>} : memref<128xf32, #tpu.memory_space<vmem>>, vector<16xf32>,
    %swap3A_336 = vector.shape_cast %swap3A_335 : vector<16xf32> to vector<16xf32>
    %swap3A_337 = vector.shape_cast %scan3A_333#0 : vector<16xf32> to vector<16xf32>
    tpu.vector_store %arg7[%swap3A], %swap3A_337 {strides = array<i32>} : memref<128xf32, #tpu.memory_space<vmem>>, vector<16xf32>,
    %swap3A_338 = arith.constant 16 : index
    %swap3A_339 = tpu.vector_load %arg7[%swap3A_338] {strides = array<i32>} : memref<128xf32, #tpu.memory_space<vmem>>, vector<16xf32>,
    %swap3A_340 = vector.shape_cast %swap3A_339 : vector<16xf32> to vector<16xf32>
    %swap3A_341 = vector.shape_cast %scan3A_333#1 : vector<16xf32> to vector<16xf32>
    tpu.vector_store %arg7[%swap3A_338], %swap3A_341 {strides = array<i32>} : memref<128xf32, #tpu.memory_space<vmem>>, vector<16xf32>,
    %swap3A_342 = arith.constant 32 : index
    %swap3A_343 = tpu.vector_load %arg7[%swap3A_342] {strides = array<i32>} : memref<128xf32, #tpu.memory_space<vmem>>, vector<16xf32>,
    %swap3A_344 = vector.shape_cast %swap3A_343 : vector<16xf32> to vector<16xf32>
    %swap3A_345 = vector.shape_cast %scan3A_333#2 : vector<16xf32> to vector<16xf32>
    tpu.vector_store %arg7[%swap3A_342], %swap3A_345 {strides = array<i32>} : memref<128xf32, #tpu.memory_space<vmem>>, vector<16xf32>,
    %swap3A_346 = arith.constant 48 : index
    %swap3A_347 = tpu.vector_load %arg7[%swap3A_346] {strides = array<i32>} : memref<128xf32, #tpu.memory_space<vmem>>, vector<16xf32>,
    %swap3A_348 = vector.shape_cast %swap3A_347 : vector<16xf32> to vector<16xf32>
    %swap3A_349 = vector.shape_cast %scan3A_333#3 : vector<16xf32> to vector<16xf32>
    tpu.vector_store %arg7[%swap3A_346], %swap3A_349 {strides = array<i32>} : memref<128xf32, #tpu.memory_space<vmem>>, vector<16xf32>,
    %swap3A_350 = arith.constant 64 : index
    %swap3A_351 = tpu.vector_load %arg7[%swap3A_350] {strides = array<i32>} : memref<128xf32, #tpu.memory_space<vmem>>, vector<16xf32>,
    %swap3A_352 = vector.shape_cast %swap3A_351 : vector<16xf32> to vector<16xf32>
    %swap3A_353 = vector.shape_cast %scan3A_333#4 : vector<16xf32> to vector<16xf32>
    tpu.vector_store %arg7[%swap3A_350], %swap3A_353 {strides = array<i32>} : memref<128xf32, #tpu.memory_space<vmem>>, vector<16xf32>,
    %swap3A_354 = arith.constant 80 : index
    %swap3A_355 = tpu.vector_load %arg7[%swap3A_354] {strides = array<i32>} : memref<128xf32, #tpu.memory_space<vmem>>, vector<16xf32>,
    %swap3A_356 = vector.shape_cast %swap3A_355 : vector<16xf32> to vector<16xf32>
    %swap3A_357 = vector.shape_cast %scan3A_333#5 : vector<16xf32> to vector<16xf32>
    tpu.vector_store %arg7[%swap3A_354], %swap3A_357 {strides = array<i32>} : memref<128xf32, #tpu.memory_space<vmem>>, vector<16xf32>,
    %swap3A_358 = arith.constant 96 : index
    %swap3A_359 = tpu.vector_load %arg7[%swap3A_358] {strides = array<i32>} : memref<128xf32, #tpu.memory_space<vmem>>, vector<16xf32>,
    %swap3A_360 = vector.shape_cast %swap3A_359 : vector<16xf32> to vector<16xf32>
    %swap3A_361 = vector.shape_cast %scan3A_333#6 : vector<16xf32> to vector<16xf32>
    tpu.vector_store %arg7[%swap3A_358], %swap3A_361 {strides = array<i32>} : memref<128xf32, #tpu.memory_space<vmem>>, vector<16xf32>,
    %swap3A_362 = arith.constant 112 : index
    %swap3A_363 = tpu.vector_load %arg7[%swap3A_362] {strides = array<i32>} : memref<128xf32, #tpu.memory_space<vmem>>, vector<16xf32>,
    %swap3A_364 = vector.shape_cast %swap3A_363 : vector<16xf32> to vector<16xf32>
    %swap3A_365 = vector.shape_cast %scan3A_333#7 : vector<16xf32> to vector<16xf32>
    tpu.vector_store %arg7[%swap3A_362], %swap3A_365 {strides = array<i32>} : memref<128xf32, #tpu.memory_space<vmem>>, vector<16xf32>,
    "tpu.region"() ({
      %run_scoped3A = tpu.sem_alloc : memref<!tpu.dma_semaphore, #tpu.memory_space<semaphore_mem>>
      %dma_start3A_366 = arith.constant 0 : i32
      %dma_start3A_367 = tpu.memref_slice %arg4[%add3A, %dma_start3A_366] : memref<32x128xf32, #tpu.memory_space<hbm>> -> memref<1x128xf32, #tpu.memory_space<hbm>>
      %dma_start3A_368 = tpu.memref_squeeze %dma_start3A_367 : memref<1x128xf32, #tpu.memory_space<hbm>> -> memref<128xf32, #tpu.memory_space<hbm>>
      %dma_start3A_369 = arith.constant 0 : i32
      %dma_start3A_370 = tpu.memref_slice %arg4[%add3A, %dma_start3A_369] : memref<32x128xf32, #tpu.memory_space<hbm>> -> memref<1x128xf32, #tpu.memory_space<hbm>>
      %dma_start3A_371 = tpu.memref_squeeze %dma_start3A_370 : memref<1x128xf32, #tpu.memory_space<hbm>> -> memref<128xf32, #tpu.memory_space<hbm>>
      tpu.enqueue_dma source(%arg7 : memref<128xf32, #tpu.memory_space<vmem>>) target(%dma_start3A_371 : memref<128xf32, #tpu.memory_space<hbm>>) target_semaphore(%run_scoped3A : memref<!tpu.dma_semaphore, #tpu.memory_space<semaphore_mem>>)
      %dma_wait3A_372 = arith.constant 0 : i32
      %dma_wait3A_373 = tpu.memref_slice %arg4[%add3A, %dma_wait3A_372] : memref<32x128xf32, #tpu.memory_space<hbm>> -> memref<1x128xf32, #tpu.memory_space<hbm>>
      %dma_wait3A_374 = tpu.memref_squeeze %dma_wait3A_373 : memref<1x128xf32, #tpu.memory_space<hbm>> -> memref<128xf32, #tpu.memory_space<hbm>>
      %dma_wait3A_375 = arith.constant 0 : i32
      %dma_wait3A_376 = tpu.memref_slice %arg4[%add3A, %dma_wait3A_375] : memref<32x128xf32, #tpu.memory_space<hbm>> -> memref<1x128xf32, #tpu.memory_space<hbm>>
      %dma_wait3A_377 = tpu.memref_squeeze %dma_wait3A_376 : memref<1x128xf32, #tpu.memory_space<hbm>> -> memref<128xf32, #tpu.memory_space<hbm>>
      tpu.wait_dma2 semaphore(%run_scoped3A : memref<!tpu.dma_semaphore, #tpu.memory_space<semaphore_mem>>) src(%arg7 : memref<128xf32, #tpu.memory_space<vmem>>) dst(%dma_wait3A_377 : memref<128xf32, #tpu.memory_space<hbm>>)
      tpu.yield
    }) : () -> ()
    return
  }
}

module attributes {stable_mosaic.version = 14 : i64} {
  func.func @body(%arg0: memref<32x128xf32, #tpu.memory_space<vmem>>, %arg1: memref<1x128xf32, #tpu.memory_space<vmem>>) attributes {dimension_semantics = [], scalar_prefetch = 0 : i64, scratch_operands = 0 : i64, tpu.core_type = #tpu.core_type<tc>} {
    %get3A = arith.constant 0 : index
    %get3A_0 = arith.constant 0 : index
    %get3A_1 = vector.load %arg0[%get3A, %get3A_0] : memref<32x128xf32, #tpu.memory_space<vmem>>, vector<32x128xf32>
    %reduce_sum3A = arith.constant dense<0.000000e+00> : vector<128xf32>
    %reduce_sum3A_2 = vector.multi_reduction <add>, %get3A_1, %reduce_sum3A [0] : vector<32x128xf32> to vector<128xf32>
    %broadcast_in_dim3A = vector.shape_cast %reduce_sum3A_2 : vector<128xf32> to vector<1x128xf32>
    %mul3A = arith.constant 6.10351563E-5 : f32
    %mul3A_3 = vector.broadcast %mul3A : f32 to vector<1x128xf32>
    %mul3A_4 = arith.mulf %broadcast_in_dim3A, %mul3A_3 : vector<1x128xf32>
    %swap3A = arith.constant 0 : index
    %swap3A_5 = arith.constant 0 : index
    %swap3A_6 = vector.load %arg1[%swap3A, %swap3A_5] : memref<1x128xf32, #tpu.memory_space<vmem>>, vector<1x128xf32>
    tpu.vector_store %arg1[%swap3A, %swap3A_5], %mul3A_4 {strides = array<i32>} : memref<1x128xf32, #tpu.memory_space<vmem>>, vector<1x128xf32>,
    return
  }
}

</mosaic_0001>

<sc_bundles>
// kernel: kernel.4.cloned.1.call-start
scs
__scs_entry_jumppad:
0x0: {  	(pc) =	sbr.rel $0x88, $3  }
0x1: {  	(tag) =	ssettag $0x0;
	lr =	simm.s32 $0x1  }
0x2: {  	[smem:$0x3F9F] =	sst lr;
	_ =	strace $0xD0000000  }
0x3: {  	_ = 	snop  }
0x4: {  	_ = 	snop  }
0x5: {  	_ = 	snop  }
0x6: {  	_ = 	snop  }
0x7: {  	_ = 	snop  }
__scs_overlays_trampoline_lowered:
0x8: {  	[smem:$0x3FAE] =	sst s0  }
0x9: {  	[smem:$0x3FAF] =	sst s1  }
0xa: {  	[smem:$0x3FB0] =	sst s2  }
0xb: {  	[smem:$0x3FB1] =	sst s3  }
0xc: {  	[smem:$0x3FB2] =	sst s4  }
0xd: {  	[smem:$0x3FB3] =	sst s5  }
0xe: {  	[smem:$0x3FB4] =	sst s6  }
0xf: {  	[smem:$0x3FB5] =	sst s7  }
0x10: {  	[smem:$0x3FB6] =	sst s8  }
0x11: {  	[smem:$0x3FB7] =	sst s9;
	s0 =	simm.s32 @!p0 $0x0  }
0x12: {  	s1 =	sld [smem:$0x3F9D];
	s0 =	simm.s32 @p0 $0x1  }
0x13: {  	[smem:$0x3FB8] =	sst s0;
	s0 =	simm.s32 @!p1 $0x0  }
0x14: {  	s2 =	sld [smem:$0x3F9C];
	s0 =	simm.s32 @p1 $0x1  }
0x15: {  	[smem:$0x3FB9] =	sst s0;
	s0 =	simm.s32 @!p2 $0x0  }
0x16: {  	s3 =	sld [smem:$0x3FDB];
	s0 =	simm.s32 @p2 $0x1  }
0x17: {  	s4 =	simm.s32 $0x1BF5;
	[smem:$0x3FBB] =	sst s0  }
0x18: {  	s0 =	sld [smem:$0x3F9E];
	_ =	swait.ge [sflag:s4], $0x0  }
0x19: {  	s7 =	sld [smem:$0x3F9F]  }
0x1a: {  	s8 =	sadd.s32 $0xFFFFE003, lr  }
0x1b: {  	s9 =	sadd.s32 $0xFFFFFEF7, lr;
	s5 =	simm.s32 $0xFFFFFFFF;
	p2 =	slt.u32 s8, $0xFFFFF086  }
0x1c: {  	p1 =	slt.u32 s9, $0xF7A;
	s5 =	simm.s32 @!p2 $0x0  }
0x1d: {  	s5 =	simm.s32 @p1 $0x1;
	p0 =	seq.s32 s7, s2  }
0x1e: {  	s7 =	smul.u32 @!p0 $0xF7A, s2;
	p2 =	seq.s32 @!p0 s5, $0x0  }
0x1f: {  	s9 =	smul.u32 $0xF7A, s1;
	s8 =	simm.s32 @!p0 $0x1BF5;
	p2 =	por !p2, p0  }
0x20: {  	[sflag:s8] =	ssyncset.s32 @!p0 $0xFFFFF086;
	s6 =	sadd.s32 @!p0 s3, s7;
	s7 =	simm.s32 @!p0 $0x108  }
0x21: {  	s3 =	sadd.s32 s3, s9;
	s6 =	sadd.s32 @!p0 $0x88, s6;
	s7 =	simm.s32 @p2 $0x1082  }
0x22: {  	[simem:s7], [sflag:s8] =	dma.local @!p0 [hbm:s6], $0xF7A  }
0x23: {  	s9 =	sor.u32 $0xD0000000, s2;
	s6 =	simm.s32 $0x108;
	_ =	swait.ge @!p0 [sflag:s8], $0x0  }
0x24: {  	s3 =	sadd.s32 $0x88, s3;
	s6 =	simm.s32 @!p1 $0x1082;
	[sflag:s4] =	ssyncset.s32 $0xFFFFF086  }
0x25: {  	[simem:s6], [sflag:s4] =	dma.local [hbm:s3], $0xF7A  }
0x26: {  	[smem:$0x3F9F] =	sst s1;
	(tag) =	ssettag s2;
	_ =	strace s9  }
0x27: {  	s1 =	sld [smem:$0x3FAF]  }
0x28: {  	s2 =	sld [smem:$0x3FB0]  }
0x29: {  	s4 =	sld [smem:$0x3FB2]  }
0x2a: {  	p0 =	seq.s32 s5, $0x0;
	s5 =	sld [smem:$0x3FB3]  }
0x2b: {  	s6 =	sld [smem:$0x3FB4]  }
0x2c: {  	s7 =	sld [smem:$0x3FB5]  }
0x2d: {  	s3 =	simm.s32 $0x108;
	s8 =	sld [smem:$0x3FB6]  }
0x2e: {  	s3 =	simm.s32 @!p0 $0x1082;
	s9 =	sld [smem:$0x3FB7]  }
0x2f: {  	lr =	sadd.s32 s0, s3;
	s0 =	sld [smem:$0x3FAE]  }
0x30: {  	s3 =	sld [smem:$0x3FB1]  }
0x31: {  	[smem:$0x3FBA] =	sst s10  }
0x32: {  	s10 =	sld [smem:$0x3FB8];
	_ =	sdelay $0x3  }
0x33: {  	p0 =	seq.s32 s10, $0x1;
	s10 =	sld [smem:$0x3FBA];
	_ =	sdelay $0x3  }
0x34: {  	[smem:$0x3FBA] =	sst s10  }
0x35: {  	s10 =	sld [smem:$0x3FB9];
	_ =	sdelay $0x3  }
0x36: {  	p1 =	seq.s32 s10, $0x1;
	s10 =	sld [smem:$0x3FBA];
	_ =	sdelay $0x3  }
0x37: {  	[smem:$0x3FBA] =	sst s10  }
0x38: {  	s10 =	sld [smem:$0x3FBB]  }
0x39: {  	_ = 	snop;
	(pc) =	sbr.ind lr, $3  }
0x3a: {  	_ = 	snop  }
0x3b: {  	_ = 	snop  }
0x3c: {  	p2 =	seq.s32 s10, $0x1;
	s10 =	sld [smem:$0x3FBA]  }
0x3d: {  	_ =	shalt  }
0x3e: {  	_ =	shalt  }
0x3f: {  	_ =	shalt  }
0x40: {  	_ =	shalt  }
0x41: {  	_ =	shalt  }
0x42: {  	_ =	shalt  }
0x43: {  	_ =	shalt  }
0x44: {  	_ =	shalt  }
0x45: {  	_ =	shalt  }
0x46: {  	_ =	shalt  }
0x47: {  	_ =	shalt  }
0x48: {  	_ =	shalt  }
0x49: {  	_ =	shalt  }
0x4a: {  	_ =	shalt  }
0x4b: {  	_ =	shalt  }
0x4c: {  	_ =	shalt  }
0x4d: {  	_ =	shalt  }
0x4e: {  	_ =	shalt  }
0x4f: {  	_ =	shalt  }
0x50: {  	_ =	shalt  }
0x51: {  	_ =	shalt  }
0x52: {  	_ =	shalt  }
0x53: {  	_ =	shalt  }
0x54: {  	_ =	shalt  }
0x55: {  	_ =	shalt  }
0x56: {  	_ =	shalt  }
0x57: {  	_ =	shalt  }
0x58: {  	_ =	shalt  }
0x59: {  	_ =	shalt  }
0x5a: {  	_ =	shalt  }
0x5b: {  	_ =	shalt  }
0x5c: {  	_ =	shalt  }
0x5d: {  	_ =	shalt  }
0x5e: {  	_ =	shalt  }
0x5f: {  	_ =	shalt  }
0x60: {  	_ =	shalt  }
0x61: {  	_ =	shalt  }
0x62: {  	_ =	shalt  }
0x63: {  	_ =	shalt  }
0x64: {  	_ =	shalt  }
0x65: {  	_ =	shalt  }
0x66: {  	_ =	shalt  }
0x67: {  	_ =	shalt  }
0x68: {  	_ =	shalt  }
0x69: {  	_ =	shalt  }
0x6a: {  	_ =	shalt  }
0x6b: {  	_ =	shalt  }
0x6c: {  	_ =	shalt  }
0x6d: {  	_ =	shalt  }
0x6e: {  	_ =	shalt  }
0x6f: {  	_ =	shalt  }
0x70: {  	_ =	shalt  }
0x71: {  	_ =	shalt  }
0x72: {  	_ =	shalt  }
0x73: {  	_ =	shalt  }
0x74: {  	_ =	shalt  }
0x75: {  	_ =	shalt  }
0x76: {  	_ =	shalt  }
0x77: {  	_ =	shalt  }
0x78: {  	_ =	shalt  }
0x79: {  	_ =	shalt  }
0x7a: {  	_ =	shalt  }
0x7b: {  	_ =	shalt  }
0x7c: {  	_ =	shalt  }
0x7d: {  	_ =	shalt  }
0x7e: {  	_ =	shalt  }
0x7f: {  	_ =	shalt  }
0x80: {  	_ =	shalt  }
0x81: {  	_ =	shalt  }
0x82: {  	_ =	shalt  }
0x83: {  	_ =	shalt  }
0x84: {  	_ =	shalt  }
0x85: {  	_ =	shalt  }
0x86: {  	_ =	shalt  }
0x87: {  	_ =	shalt  }
.Lfunc_end0:
.L_simem_size_0:
called_computation_lowered:
.L_overlay_start_0:
0x88: {  	s2 =	sld [smem:$0x3FD9]  }
0x89: {  	s3 =	sld [smem:$0x3FFE];
	_ =	sdelay $0x1  }
0x8a: {  	s1 =	srdreg.scid  }
0x8b: {  	s0 =	sand.u32 $0x1, s1  }
0x8c: {  	s17 =	sshll.u32 s0, $0xA;
	s2 =	sadd.s32 s3, s2  }
0x8d: {  	s2 =	sadd.s32 s2, s17  }
0x8e: {  	[smem:$0x3FC6] =	sst s2  }
0x8f: {  	_ = 	snop  }
0x90: {  	s2 =	sld [smem:$0x3FC9]  }
0x91: {  	s18 =	sld [smem:$0x3FC8];
	(tm) =	ssettm $0x1  }
0x92: {  	s4 =	sld [smem:$0x3FFB];
	_ =	sdelay $0x3  }
0x93: {  	_ =	strace s4  }
0x94: {  	s4 =	sld [smem:$0x3FFC];
	_ =	sdelay $0x3  }
0x95: {  	_ =	strace s4  }
0x96: {  	s4 =	sld [smem:$0x3FFD];
	_ =	sdelay $0x3  }
0x97: {  	_ =	strace s4  }
0x98: {  	_ =	strace $0x8FFFFFFF  }
0x99: {  	s19 =	sld [smem:$0x3FDB];
	_ =	sdelay $0x1  }
0x9a: {  	s5 =	simm.s32 $_scs_section_size  }
0x9b: {  	s6 =	simm.s32 $_size__tile_overlayer_lowered;
	s7 =	simm.s32 $_tile_overlayer_lowered  }
0x9c: {  	s22 =	simm.s32 $0x1BFF;
	s21 =	sshll.u32 s7, $0x1;
	s4 =	sadd.s32 s5, s19  }
0x9d: {  	s8 =	simm.s32 $0x0;
	s20 =	sshll.u32 s6, $0x1;
	s6 =	sadd.s32 s21, s4  }
0x9e: {  	[timem:s8], [sflag:s22] =	dma.local [hbm:s6], s20  }
0x9f: {  	_ =	swait.ge [sflag:s22], s20  }
0xa0: {  	s5 =	ssub.s32 $0x0, s20;
	[sflag:s22] =	ssyncset.done $0x0  }
0xa1: {  	[sflag:s22] =	ssyncadd.s32 s5;
	_ =	sdelay $0x1  }
0xa2: {  	s23 =	simm.s32 $0x1B8B  }
0xa3: {  	_ =	swait.ge [sflag:s23], $0x1  }
0xa4: {  	[sflag:s23] =	ssyncset.done $0x0  }
0xa5: {  	s25 =	simm.s32 $0x1B8E;
	s24 =	sld [smem:$0x3FFE];
	[sflag:s23] =	ssyncadd.s32 $0xFFFFFFFF  }
0xa6: {  	s26 =	simm.s32 $execute0_lowered;
	[smem:$0x3FD2] =	sst s25  }
0xa7: {  	s6 =	sshll.u32 s26, $0x1;
	_ =	strace $0x80000046;
	[dreg:$0x1] =	wrdreg $0xFFFFFFFF  }
0xa8: {  	s28 =	simm.s32 $_size_execute0_lowered;
	s4 =	sadd.s32 s4, s6;
	[dreg:$0x0] =	wrdreg $0x0  }
0xa9: {  	s6 =	sshll.u32 s28, $0x1;
	[dreg:$0x2] =	wrdreg s4  }
0xaa: {  	[dreg:$0x3] =	wrdreg s6  }
0xab: {  	[dreg:$0x4] =	wrdreg $0xC0  }
0xac: {  	_ =	task [dreg:s8], $0x5FFFF  }
0xad: {  	[dreg:$0x1] =	wrdreg $0xFFFFFFFF  }
0xae: {  	[dreg:$0x0] =	wrdreg $0x60  }
0xaf: {  	[dreg:$0x2] =	wrdreg s2  }
0xb0: {  	[dreg:$0x3] =	wrdreg s18  }
0xb1: {  	[dreg:$0x4] =	wrdreg s24  }
0xb2: {  	[dreg:$0x5] =	wrdreg $0x9  }
0xb3: {  	_ =	task.clear_ibuf [dreg:s8], $0x6FFFF;
	_ =	strace $0x90000046  }
0xb4: {  	s29 =	simm.s32 $0x9;
	_ =	strace $0x80000048  }
0xb5: {  	_ =	swait.ge [sflag:s29], $0x1  }
0xb6: {  	[sflag:s29] =	ssyncadd.s32 $0xFFFFFFFF  }
0xb7: {  	_ =	strace $0x90000048  }
0xb8: {  	_ =	sfence  }
0xb9: {  	s30 =	sld [smem:$0x0];
	_ =	sdelay $0x2  }
0xba: {  	s31 =	sshll.u32 s1, $0xD;
	s1 =	sshrl.u32 s1, $0x2  }
0xbb: {  	s3 =	sand.u32 $0x4000, s31;
	s1 =	sadd.s32 s1, s30  }
0xbc: {  	s0 =	sor.u32 s3, s0;
	s1 =	sshll.u32 s1, $0x11  }
0xbd: {  	s0 =	sor.u32 s1, s0  }
0xbe: {  	s0 =	sadd.s32 $0x8F2B, s0  }
0xbf: {  	[sflag:s0] =	ssyncadd.remote.s32 $0x1  }
0xc0: {  	_ =	sfence.sel $0xFFFF  }
0xc1: {  	[dreg:$0x0] =	wrdreg $0xFFFFFFFF;
	(pc) =	sbr.abs _section_cstart, $3  }
0xc2: {  	[dreg:$0x1] =	wrdreg $0xFFFFFFFF  }
0xc3: {  	_ =	task.clear_ibuf [dreg:s8], $0x2FFFF;
	_ =	strace $0x9FFFFFFF  }
0xc4: {  	(tm) =	ssettm $0x7FFFFFFF  }
0xc5: {  	_ =	shalt  }
tec
execute0_lowered:
.L_overlay_start_1:
0x0: {  	(tag) =	ssettag $0x1  }
0x1: {  	s0 =	rddreg [dreg:$0x0]  }
0x2: {  	s2 =	rddreg [dreg:$0x1]  }
0x3: {  	s1 =	rddreg [dreg:$0x2]  }
0x4: {  	s4 =	srdreg.scid;
	s5 =	stileid.u32;
	s3 =	simm.s32 $0x0  }
0x5: {  	s14 =	simm.s32 $0x40;
	s28 =	simm.s32 $0xC;
	s30 =	simm.s32 $0xD  }
0x6: {  	s31 =	simm.s32 $0x1;
	s29 =	simm.s32 $0x4;
	s15 =	simm.s32 $0x5  }
0x7: {  	s4 =	sand.u32 $0x1, s4;
	s5 =	sshll.u32 s5, $0x1;
	[smem:$0x7FF] =	sst s3  }
0x8: {  	s16 =	simm.s32 $0x7;
	s5 =	sor.u32 s4, s5;
	_ =	strace $0x80000047  }
0x9: {  	s6 =	ssub.s32 $0x2, s4;
	s17 =	sshll.u32 s5, $0x6;
	s5 =	sshll.u32 s5, $0x4  }
0xa: {  	s7 =	sshrl.u32 s6, $0x1;
	s4 =	sadd.s32 s0, s17;
	s18 =	sadd.s32 s5, s1  }
0xb: {  	s19 =	ssub.s32 s6, s7;
	s0 =	simm.s32 $0xE;
	s20 =	sadd.s32 $0x8, s4  }
0xc: {  	s1 =	simm.s32 $0x2;
	s21 =	sadd.s32 $0x10, s4;
	[dreg:$0x4] =	wrdreg s20  }
0xd: {  	s5 =	simm.s32 $0x6;
	s22 =	sadd.s32 $0x18, s4;
	[dreg:$0x5] =	wrdreg s21  }
0xe: {  	s6 =	simm.s32 $0x8;
	s23 =	sadd.s32 $0x20, s4;
	[dreg:$0x6] =	wrdreg s22  }
0xf: {  	s17 =	simm.s32 $0x11;
	s24 =	sadd.s32 $0x28, s4;
	[dreg:$0x7] =	wrdreg s23  }
0x10: {  	s7 =	simm.s32 $0x0;
	s25 =	sadd.s32 $0x30, s4;
	[dreg:$0x8] =	wrdreg s24  }
0x11: {  	s26 =	sadd.s32 $0x38, s4;
	s12 =	sadd.s32 $0x600, s18;
	[dreg:$0x9] =	wrdreg s25  }
0x12: {  	s13 =	smax.u32 s19, $0x1;
	[dreg:$0xa] =	wrdreg s26;
	s21 =	simm.s32 $0x9  }
0x13: {  	s23 =	simm.s32 $0xA;
	s25 =	simm.s32 $0xB;
	s22 =	simm.s32 $0xF  }
0x14: {  	s26 =	simm.s32 $0x10;
	s24 =	simm.s32 $0x3;
	s20 =	simm.s32 $0x140  }
.LBB2_1:
0x15: {  	[tilespmem:s3], [sflag:$0x9] =	stream.linear.gather [hbm4b:s4+s3], $0x40, $0x38;
	[tilespmem:$0x10280] =	vst v63  }
0x16: {  	s8 =	rddreg [dreg:$0x4]  }
0x17: {  	[tilespmem:s14], [sflag:$0xA] =	stream.linear.gather [hbm4b:s8+s3], $0x40, $0x38;
	[tilespmem:$0x10280] =	vst v63  }
0x18: {  	s19 =	rddreg [dreg:$0x5];
	s18 =	simm.s32 $0x80  }
0x19: {  	[tilespmem:s18], [sflag:$0xB] =	stream.linear.gather [hbm4b:s19+s3], $0x40, $0x38;
	[tilespmem:$0x10280] =	vst v63  }
0x1a: {  	s9 =	rddreg [dreg:$0x6];
	s19 =	simm.s32 $0xC0  }
0x1b: {  	[tilespmem:s19], [sflag:$0xC] =	stream.linear.gather [hbm4b:s9+s3], $0x40, $0x38;
	[tilespmem:$0x10280] =	vst v63  }
0x1c: {  	s10 =	rddreg [dreg:$0x7];
	s9 =	simm.s32 $0x100  }
0x1d: {  	[tilespmem:s9], [sflag:$0xD] =	stream.linear.gather [hbm4b:s10+s3], $0x40, $0x38;
	[tilespmem:$0x10280] =	vst v63  }
0x1e: {  	s11 =	rddreg [dreg:$0x8]  }
0x1f: {  	[tilespmem:s20], [sflag:$0xE] =	stream.linear.gather [hbm4b:s11+s3], $0x40, $0x38;
	[tilespmem:$0x10280] =	vst v63  }
0x20: {  	s8 =	simm.s32 $0x180;
	s10 =	rddreg [dreg:$0x9]  }
0x21: {  	[tilespmem:s8], [sflag:$0xF] =	stream.linear.gather [hbm4b:s10+s3], $0x40, $0x38;
	[tilespmem:$0x10280] =	vst v63  }
0x22: {  	s11 =	rddreg [dreg:$0xa];
	s10 =	simm.s32 $0x1C0  }
0x23: {  	[tilespmem:s10], [sflag:$0x10] =	stream.linear.gather [hbm4b:s11+s3], $0x40, $0x38;
	[tilespmem:$0x10280] =	vst v63  }
0x24: {  	_ =	swait.ge [sflag:s21], $0x40  }
0x25: {  	[sflag:s21] =	ssyncset.done $0x0  }
0x26: {  	s11 =	simm.s32 $0x200;
	[sflag:s21] =	ssyncadd.s32 $0xFFFFFFC0  }
0x27: {  	[tilespmem:s11], [sflag:$0x1] =	stream.indirect.gather [hbm4b:s2+s14], $0x80, s3, s14, $0xb8;
	[tilespmem:$0x10280] =	vst v63  }
0x28: {  	_ =	swait.ge [sflag:s23], $0x40  }
0x29: {  	[sflag:s23] =	ssyncset.done $0x0  }
0x2a: {  	s11 =	simm.s32 $0x2200;
	[sflag:s23] =	ssyncadd.s32 $0xFFFFFFC0  }
0x2b: {  	[tilespmem:s11], [sflag:$0x2] =	stream.indirect.gather [hbm4b:s2+s14], $0x80, s14, s14, $0xb8;
	[tilespmem:$0x10280] =	vst v63  }
0x2c: {  	_ =	swait.ge [sflag:s25], $0x40  }
0x2d: {  	[sflag:s25] =	ssyncset.done $0x0  }
0x2e: {  	s11 =	simm.s32 $0x4200;
	[sflag:s25] =	ssyncadd.s32 $0xFFFFFFC0  }
0x2f: {  	[tilespmem:s11], [sflag:$0x3] =	stream.indirect.gather [hbm4b:s2+s14], $0x80, s18, s14, $0xb8;
	[tilespmem:$0x10280] =	vst v63  }
0x30: {  	_ =	swait.ge [sflag:s28], $0x40  }
0x31: {  	[sflag:s28] =	ssyncset.done $0x0  }
0x32: {  	s18 =	simm.s32 $0x6200;
	[sflag:s28] =	ssyncadd.s32 $0xFFFFFFC0  }
0x33: {  	[tilespmem:s18], [sflag:$0x4] =	stream.indirect.gather [hbm4b:s2+s14], $0x80, s19, s14, $0xb8;
	[tilespmem:$0x10280] =	vst v63  }
0x34: {  	_ =	swait.ge [sflag:s30], $0x40  }
0x35: {  	[sflag:s30] =	ssyncset.done $0x0  }
0x36: {  	s18 =	simm.s32 $0x8200;
	[sflag:s30] =	ssyncadd.s32 $0xFFFFFFC0  }
0x37: {  	[tilespmem:s18], [sflag:$0x5] =	stream.indirect.gather [hbm4b:s2+s14], $0x80, s9, s14, $0xb8;
	[tilespmem:$0x10280] =	vst v63  }
0x38: {  	_ =	swait.ge [sflag:s0], $0x40  }
0x39: {  	[sflag:s0] =	ssyncset.done $0x0  }
0x3a: {  	s19 =	simm.s32 $0xA200;
	[sflag:s0] =	ssyncadd.s32 $0xFFFFFFC0  }
0x3b: {  	[tilespmem:s19], [sflag:$0x6] =	stream.indirect.gather [hbm4b:s2+s14], $0x80, s20, s14, $0xb8;
	[tilespmem:$0x10280] =	vst v63  }
0x3c: {  	_ =	swait.ge [sflag:s22], $0x40  }
0x3d: {  	[sflag:s22] =	ssyncset.done $0x0  }
0x3e: {  	s11 =	simm.s32 $0xC200;
	[sflag:s22] =	ssyncadd.s32 $0xFFFFFFC0  }
0x3f: {  	[tilespmem:s11], [sflag:$0x7] =	stream.indirect.gather [hbm4b:s2+s14], $0x80, s8, s14, $0xb8;
	[tilespmem:$0x10280] =	vst v63  }
0x40: {  	_ =	swait.ge [sflag:s26], $0x40  }
0x41: {  	[sflag:s26] =	ssyncset.done $0x0  }
0x42: {  	s18 =	simm.s32 $0xE200;
	[sflag:s26] =	ssyncadd.s32 $0xFFFFFFC0  }
0x43: {  	[tilespmem:s18], [sflag:$0x8] =	stream.indirect.gather [hbm4b:s2+s14], $0x80, s10, s14, $0xb8;
	[tilespmem:$0x10280] =	vst v63  }
0x44: {  	_ =	swait.ge [sflag:s31], $0x2000  }
0x45: {  	[sflag:s31] =	ssyncset.done $0x0  }
0x46: {  	s19 =	simm.s32 $0x0;
	[sflag:s31] =	ssyncadd.s32 $0xFFFFE000  }
0x47: {  	v0 =	vld [tilespmem:s19+$0x270]  }
0x48: {  	v2 =	vld [tilespmem:s19+$0x200]  }
0x49: {  	v4 =	vld [tilespmem:s19+$0x210]  }
0x4a: {  	v5 =	vld [tilespmem:s19+$0x220]  }
0x4b: {  	v8 =	vld [tilespmem:s19+$0x230]  }
0x4c: {  	v3 =	vimm.f32 $0.0e+00;
	v9 =	vimm.f32 $0.0e+00;
	v6 =	vld [tilespmem:s19+$0x240]  }
0x4d: {  	v10 =	vimm.f32 $0.0e+00;
	v7 =	vimm.f32 $0.0e+00;
	v11 =	vld [tilespmem:s19+$0x250];
	v1 =	vadd.f32 v0, v3  }
0x4e: {  	s8 =	simm.s32 $0x400;
	s18 =	simm.s32 $0x80;
	v12 =	vld [tilespmem:s19+$0x260];
	v0 =	vadd.f32 v2, v3;
	v2 =	vadd.f32 v4, v3;
	v4 =	vimm.f32 $0.0e+00  }
.LBB2_2:
0x4f: {  	p0 =	sne.s32 s8, $0x7E00;
	v13 =	vld [tilespmem:s18+$0x270];
	v3 =	vadd.f32 v5, v3  }
0x50: {  	v14 =	vld [tilespmem:s18+$0x200];
	v4 =	vadd.f32 v8, v4  }
0x51: {  	v15 =	vld [tilespmem:s18+$0x210];
	v9 =	vadd.f32 v6, v9  }
.Ltmp0:
0x52: {  	v5 =	vld [tilespmem:s18+$0x220];
	v10 =	vadd.f32 v11, v10;
	(pc) =	sbr.rel @p0 .LBB2_2-.Ltmp0, $4  }
0x53: {  	v8 =	vld [tilespmem:s18+$0x230];
	v7 =	vadd.f32 v12, v7  }
0x54: {  	v6 =	vld [tilespmem:s18+$0x240];
	v1 =	vadd.f32 v13, v1  }
0x55: {  	v0 =	vadd.f32 v14, v0;
	v11 =	vld [tilespmem:s18+$0x250]  }
0x56: {  	v2 =	vadd.f32 v15, v2;
	v12 =	vld [tilespmem:s18+$0x260];
	s18 =	sshra.s32 s8, $0x2;
	s8 =	sadd.s32 $0x200, s8  }
0x57: {  	v13 =	vld [tilespmem:s18+$0x270]  }
0x58: {  	v14 =	vld [tilespmem:s18+$0x200]  }
0x59: {  	v15 =	vld [tilespmem:s18+$0x210]  }
0x5a: {  	v16 =	vld [tilespmem:s18+$0x220]  }
0x5b: {  	v17 =	vld [tilespmem:s18+$0x230]  }
0x5c: {  	v18 =	vld [tilespmem:s18+$0x240]  }
0x5d: {  	v19 =	vld [tilespmem:s18+$0x250]  }
0x5e: {  	v20 =	vld [tilespmem:s18+$0x260];
	_ =	swait.ge [sflag:s1], $0x2000  }
0x5f: {  	[sflag:s1] =	ssyncset.done $0x0  }
0x60: {  	s19 =	simm.s32 $0x0;
	[sflag:s1] =	ssyncadd.s32 $0xFFFFE000  }
0x61: {  	v3 =	vadd.f32 v5, v3;
	v4 =	vadd.f32 v8, v4;
	v5 =	vld [tilespmem:s19+$0x2270]  }
0x62: {  	v6 =	vadd.f32 v6, v9;
	v10 =	vadd.f32 v11, v10;
	v21 =	vld [tilespmem:s19+$0x2200]  }
0x63: {  	v7 =	vadd.f32 v12, v7;
	v12 =	vld [tilespmem:s19+$0x2210];
	v11 =	vadd.f32 v13, v1  }
0x64: {  	v8 =	vld [tilespmem:s19+$0x2220];
	v13 =	vadd.f32 v14, v0;
	v14 =	vadd.f32 v15, v2  }
0x65: {  	v9 =	vld [tilespmem:s19+$0x2230];
	v0 =	vadd.f32 v16, v3;
	v1 =	vadd.f32 v17, v4  }
0x66: {  	v2 =	vadd.f32 v18, v6;
	v3 =	vadd.f32 v19, v10;
	v10 =	vld [tilespmem:s19+$0x2240]  }
0x67: {  	v4 =	vadd.f32 v20, v7;
	v5 =	vadd.f32 v5, v11;
	v11 =	vld [tilespmem:s19+$0x2250]  }
0x68: {  	s18 =	simm.s32 $0x80;
	s8 =	simm.s32 $0x400;
	v6 =	vadd.f32 v21, v13;
	v7 =	vadd.f32 v12, v14;
	v12 =	vld [tilespmem:s19+$0x2260]  }
.LBB2_4:
0x69: {  	p0 =	sne.s32 s8, $0x7E00;
	v13 =	vld [tilespmem:s18+$0x2270];
	v0 =	vadd.f32 v8, v0  }
0x6a: {  	v14 =	vld [tilespmem:s18+$0x2200];
	v1 =	vadd.f32 v9, v1  }
0x6b: {  	v15 =	vld [tilespmem:s18+$0x2210];
	v2 =	vadd.f32 v10, v2  }
.Ltmp1:
0x6c: {  	v8 =	vld [tilespmem:s18+$0x2220];
	v3 =	vadd.f32 v11, v3;
	(pc) =	sbr.rel @p0 .LBB2_4-.Ltmp1, $4  }
0x6d: {  	v9 =	vld [tilespmem:s18+$0x2230];
	v4 =	vadd.f32 v12, v4  }
0x6e: {  	v10 =	vld [tilespmem:s18+$0x2240];
	v5 =	vadd.f32 v13, v5  }
0x6f: {  	v6 =	vadd.f32 v14, v6;
	v11 =	vld [tilespmem:s18+$0x2250]  }
0x70: {  	v7 =	vadd.f32 v15, v7;
	v12 =	vld [tilespmem:s18+$0x2260];
	s18 =	sshra.s32 s8, $0x2;
	s8 =	sadd.s32 $0x200, s8  }
0x71: {  	v13 =	vld [tilespmem:s18+$0x2270]  }
0x72: {  	v14 =	vld [tilespmem:s18+$0x2200]  }
0x73: {  	v15 =	vld [tilespmem:s18+$0x2210]  }
0x74: {  	v16 =	vld [tilespmem:s18+$0x2220]  }
0x75: {  	v17 =	vld [tilespmem:s18+$0x2230]  }
0x76: {  	v18 =	vld [tilespmem:s18+$0x2240]  }
0x77: {  	v19 =	vld [tilespmem:s18+$0x2250]  }
0x78: {  	v20 =	vld [tilespmem:s18+$0x2260];
	_ =	swait.ge [sflag:s24], $0x2000  }
0x79: {  	[sflag:s24] =	ssyncset.done $0x0  }
0x7a: {  	s19 =	simm.s32 $0x0;
	[sflag:s24] =	ssyncadd.s32 $0xFFFFE000  }
0x7b: {  	v0 =	vadd.f32 v8, v0;
	v1 =	vadd.f32 v9, v1;
	v21 =	vld [tilespmem:s19+$0x4270]  }
0x7c: {  	v2 =	vadd.f32 v10, v2;
	v3 =	vadd.f32 v11, v3;
	v22 =	vld [tilespmem:s19+$0x4200]  }
0x7d: {  	v4 =	vadd.f32 v12, v4;
	v12 =	vld [tilespmem:s19+$0x4210];
	v5 =	vadd.f32 v13, v5  }
0x7e: {  	v8 =	vld [tilespmem:s19+$0x4220];
	v6 =	vadd.f32 v14, v6;
	v7 =	vadd.f32 v15, v7  }
0x7f: {  	v9 =	vld [tilespmem:s19+$0x4230];
	v0 =	vadd.f32 v16, v0;
	v1 =	vadd.f32 v17, v1  }
0x80: {  	v10 =	vld [tilespmem:s19+$0x4240];
	v2 =	vadd.f32 v18, v2;
	v3 =	vadd.f32 v19, v3  }
0x81: {  	v11 =	vld [tilespmem:s19+$0x4250];
	v4 =	vadd.f32 v20, v4;
	v5 =	vadd.f32 v21, v5  }
0x82: {  	s18 =	simm.s32 $0x80;
	s8 =	simm.s32 $0x400;
	v6 =	vadd.f32 v22, v6;
	v7 =	vadd.f32 v12, v7;
	v12 =	vld [tilespmem:s19+$0x4260]  }
.LBB2_6:
0x83: {  	p0 =	sne.s32 s8, $0x7E00;
	v13 =	vld [tilespmem:s18+$0x4270];
	v0 =	vadd.f32 v8, v0  }
0x84: {  	v14 =	vld [tilespmem:s18+$0x4200];
	v1 =	vadd.f32 v9, v1  }
0x85: {  	v15 =	vld [tilespmem:s18+$0x4210];
	v2 =	vadd.f32 v10, v2  }
.Ltmp2:
0x86: {  	v8 =	vld [tilespmem:s18+$0x4220];
	v3 =	vadd.f32 v11, v3;
	(pc) =	sbr.rel @p0 .LBB2_6-.Ltmp2, $4  }
0x87: {  	v9 =	vld [tilespmem:s18+$0x4230];
	v4 =	vadd.f32 v12, v4  }
0x88: {  	v10 =	vld [tilespmem:s18+$0x4240];
	v5 =	vadd.f32 v13, v5  }
0x89: {  	v6 =	vadd.f32 v14, v6;
	v11 =	vld [tilespmem:s18+$0x4250]  }
0x8a: {  	v7 =	vadd.f32 v15, v7;
	v12 =	vld [tilespmem:s18+$0x4260];
	s18 =	sshra.s32 s8, $0x2;
	s8 =	sadd.s32 $0x200, s8  }
0x8b: {  	v13 =	vld [tilespmem:s18+$0x4270]  }
0x8c: {  	v14 =	vld [tilespmem:s18+$0x4200]  }
0x8d: {  	v15 =	vld [tilespmem:s18+$0x4210]  }
0x8e: {  	v16 =	vld [tilespmem:s18+$0x4220]  }
0x8f: {  	v17 =	vld [tilespmem:s18+$0x4230]  }
0x90: {  	v18 =	vld [tilespmem:s18+$0x4240]  }
0x91: {  	v19 =	vld [tilespmem:s18+$0x4250]  }
0x92: {  	v20 =	vld [tilespmem:s18+$0x4260];
	_ =	swait.ge [sflag:s29], $0x2000  }
0x93: {  	[sflag:s29] =	ssyncset.done $0x0  }
0x94: {  	s19 =	simm.s32 $0x0;
	[sflag:s29] =	ssyncadd.s32 $0xFFFFE000  }
0x95: {  	v0 =	vadd.f32 v8, v0;
	v1 =	vadd.f32 v9, v1;
	v21 =	vld [tilespmem:s19+$0x6270]  }
0x96: {  	v2 =	vadd.f32 v10, v2;
	v3 =	vadd.f32 v11, v3;
	v22 =	vld [tilespmem:s19+$0x6200]  }
0x97: {  	v4 =	vadd.f32 v12, v4;
	v12 =	vld [tilespmem:s19+$0x6210];
	v5 =	vadd.f32 v13, v5  }
0x98: {  	v8 =	vld [tilespmem:s19+$0x6220];
	v6 =	vadd.f32 v14, v6;
	v7 =	vadd.f32 v15, v7  }
0x99: {  	v9 =	vld [tilespmem:s19+$0x6230];
	v0 =	vadd.f32 v16, v0;
	v1 =	vadd.f32 v17, v1  }
0x9a: {  	v10 =	vld [tilespmem:s19+$0x6240];
	v2 =	vadd.f32 v18, v2;
	v3 =	vadd.f32 v19, v3  }
0x9b: {  	v11 =	vld [tilespmem:s19+$0x6250];
	v4 =	vadd.f32 v20, v4;
	v5 =	vadd.f32 v21, v5  }
0x9c: {  	s18 =	simm.s32 $0x80;
	s8 =	simm.s32 $0x400;
	v6 =	vadd.f32 v22, v6;
	v7 =	vadd.f32 v12, v7;
	v12 =	vld [tilespmem:s19+$0x6260]  }
.LBB2_8:
0x9d: {  	p0 =	sne.s32 s8, $0x7E00;
	v13 =	vld [tilespmem:s18+$0x6270];
	v0 =	vadd.f32 v8, v0  }
0x9e: {  	v14 =	vld [tilespmem:s18+$0x6200];
	v1 =	vadd.f32 v9, v1  }
0x9f: {  	v15 =	vld [tilespmem:s18+$0x6210];
	v2 =	vadd.f32 v10, v2  }
.Ltmp3:
0xa0: {  	v8 =	vld [tilespmem:s18+$0x6220];
	v3 =	vadd.f32 v11, v3;
	(pc) =	sbr.rel @p0 .LBB2_8-.Ltmp3, $4  }
0xa1: {  	v9 =	vld [tilespmem:s18+$0x6230];
	v4 =	vadd.f32 v12, v4  }
0xa2: {  	v10 =	vld [tilespmem:s18+$0x6240];
	v5 =	vadd.f32 v13, v5  }
0xa3: {  	v6 =	vadd.f32 v14, v6;
	v11 =	vld [tilespmem:s18+$0x6250]  }
0xa4: {  	v7 =	vadd.f32 v15, v7;
	v12 =	vld [tilespmem:s18+$0x6260];
	s18 =	sshra.s32 s8, $0x2;
	s8 =	sadd.s32 $0x200, s8  }
0xa5: {  	v13 =	vld [tilespmem:s18+$0x6270]  }
0xa6: {  	v14 =	vld [tilespmem:s18+$0x6200]  }
0xa7: {  	v15 =	vld [tilespmem:s18+$0x6210]  }
0xa8: {  	v16 =	vld [tilespmem:s18+$0x6220]  }
0xa9: {  	v17 =	vld [tilespmem:s18+$0x6230]  }
0xaa: {  	v18 =	vld [tilespmem:s18+$0x6240]  }
0xab: {  	v19 =	vld [tilespmem:s18+$0x6250]  }
0xac: {  	v20 =	vld [tilespmem:s18+$0x6260];
	_ =	swait.ge [sflag:s15], $0x2000  }
0xad: {  	[sflag:s15] =	ssyncset.done $0x0  }
0xae: {  	s19 =	simm.s32 $0x0;
	[sflag:s15] =	ssyncadd.s32 $0xFFFFE000  }
0xaf: {  	v0 =	vadd.f32 v8, v0;
	v1 =	vadd.f32 v9, v1;
	v21 =	vld [tilespmem:s19+$0x8270]  }
0xb0: {  	v2 =	vadd.f32 v10, v2;
	v3 =	vadd.f32 v11, v3;
	v22 =	vld [tilespmem:s19+$0x8200]  }
0xb1: {  	v4 =	vadd.f32 v12, v4;
	v12 =	vld [tilespmem:s19+$0x8210];
	v5 =	vadd.f32 v13, v5  }
0xb2: {  	v8 =	vld [tilespmem:s19+$0x8220];
	v6 =	vadd.f32 v14, v6;
	v7 =	vadd.f32 v15, v7  }
0xb3: {  	v9 =	vld [tilespmem:s19+$0x8230];
	v0 =	vadd.f32 v16, v0;
	v1 =	vadd.f32 v17, v1  }
0xb4: {  	v10 =	vld [tilespmem:s19+$0x8240];
	v2 =	vadd.f32 v18, v2;
	v3 =	vadd.f32 v19, v3  }
0xb5: {  	v11 =	vld [tilespmem:s19+$0x8250];
	v4 =	vadd.f32 v20, v4;
	v5 =	vadd.f32 v21, v5  }
0xb6: {  	s18 =	simm.s32 $0x80;
	s8 =	simm.s32 $0x400;
	v6 =	vadd.f32 v22, v6;
	v7 =	vadd.f32 v12, v7;
	v12 =	vld [tilespmem:s19+$0x8260]  }
.LBB2_10:
0xb7: {  	p0 =	sne.s32 s8, $0x7E00;
	v13 =	vld [tilespmem:s18+$0x8270];
	v0 =	vadd.f32 v8, v0  }
0xb8: {  	v14 =	vld [tilespmem:s18+$0x8200];
	v1 =	vadd.f32 v9, v1  }
0xb9: {  	v15 =	vld [tilespmem:s18+$0x8210];
	v2 =	vadd.f32 v10, v2  }
.Ltmp4:
0xba: {  	v8 =	vld [tilespmem:s18+$0x8220];
	v3 =	vadd.f32 v11, v3;
	(pc) =	sbr.rel @p0 .LBB2_10-.Ltmp4, $4  }
0xbb: {  	v9 =	vld [tilespmem:s18+$0x8230];
	v4 =	vadd.f32 v12, v4  }
0xbc: {  	v10 =	vld [tilespmem:s18+$0x8240];
	v5 =	vadd.f32 v13, v5  }
0xbd: {  	v6 =	vadd.f32 v14, v6;
	v11 =	vld [tilespmem:s18+$0x8250]  }
0xbe: {  	v7 =	vadd.f32 v15, v7;
	v12 =	vld [tilespmem:s18+$0x8260];
	s18 =	sshra.s32 s8, $0x2;
	s8 =	sadd.s32 $0x200, s8  }
0xbf: {  	v13 =	vld [tilespmem:s18+$0x8270]  }
0xc0: {  	v14 =	vld [tilespmem:s18+$0x8200]  }
0xc1: {  	v15 =	vld [tilespmem:s18+$0x8210]  }
0xc2: {  	v16 =	vld [tilespmem:s18+$0x8220]  }
0xc3: {  	v17 =	vld [tilespmem:s18+$0x8230]  }
0xc4: {  	v18 =	vld [tilespmem:s18+$0x8240]  }
0xc5: {  	v19 =	vld [tilespmem:s18+$0x8250]  }
0xc6: {  	v20 =	vld [tilespmem:s18+$0x8260];
	_ =	swait.ge [sflag:s5], $0x2000  }
0xc7: {  	[sflag:s5] =	ssyncset.done $0x0  }
0xc8: {  	s19 =	simm.s32 $0x0;
	[sflag:s5] =	ssyncadd.s32 $0xFFFFE000  }
0xc9: {  	v0 =	vadd.f32 v8, v0;
	v1 =	vadd.f32 v9, v1;
	v21 =	vld [tilespmem:s19+$0xA270]  }
0xca: {  	v2 =	vadd.f32 v10, v2;
	v3 =	vadd.f32 v11, v3;
	v22 =	vld [tilespmem:s19+$0xA200]  }
0xcb: {  	v4 =	vadd.f32 v12, v4;
	v12 =	vld [tilespmem:s19+$0xA210];
	v5 =	vadd.f32 v13, v5  }
0xcc: {  	v8 =	vld [tilespmem:s19+$0xA220];
	v6 =	vadd.f32 v14, v6;
	v7 =	vadd.f32 v15, v7  }
0xcd: {  	v9 =	vld [tilespmem:s19+$0xA230];
	v0 =	vadd.f32 v16, v0;
	v1 =	vadd.f32 v17, v1  }
0xce: {  	v10 =	vld [tilespmem:s19+$0xA240];
	v2 =	vadd.f32 v18, v2;
	v3 =	vadd.f32 v19, v3  }
0xcf: {  	v11 =	vld [tilespmem:s19+$0xA250];
	v4 =	vadd.f32 v20, v4;
	v5 =	vadd.f32 v21, v5  }
0xd0: {  	s18 =	simm.s32 $0x80;
	s8 =	simm.s32 $0x400;
	v6 =	vadd.f32 v22, v6;
	v7 =	vadd.f32 v12, v7;
	v12 =	vld [tilespmem:s19+$0xA260]  }
.LBB2_12:
0xd1: {  	p0 =	sne.s32 s8, $0x7E00;
	v13 =	vld [tilespmem:s18+$0xA270];
	v0 =	vadd.f32 v8, v0  }
0xd2: {  	v14 =	vld [tilespmem:s18+$0xA200];
	v1 =	vadd.f32 v9, v1  }
0xd3: {  	v15 =	vld [tilespmem:s18+$0xA210];
	v2 =	vadd.f32 v10, v2  }
.Ltmp5:
0xd4: {  	v8 =	vld [tilespmem:s18+$0xA220];
	v3 =	vadd.f32 v11, v3;
	(pc) =	sbr.rel @p0 .LBB2_12-.Ltmp5, $4  }
0xd5: {  	v9 =	vld [tilespmem:s18+$0xA230];
	v4 =	vadd.f32 v12, v4  }
0xd6: {  	v10 =	vld [tilespmem:s18+$0xA240];
	v5 =	vadd.f32 v13, v5  }
0xd7: {  	v6 =	vadd.f32 v14, v6;
	v11 =	vld [tilespmem:s18+$0xA250]  }
0xd8: {  	v7 =	vadd.f32 v15, v7;
	v12 =	vld [tilespmem:s18+$0xA260];
	s18 =	sshra.s32 s8, $0x2;
	s8 =	sadd.s32 $0x200, s8  }
0xd9: {  	v13 =	vld [tilespmem:s18+$0xA270]  }
0xda: {  	v14 =	vld [tilespmem:s18+$0xA200]  }
0xdb: {  	v15 =	vld [tilespmem:s18+$0xA210]  }
0xdc: {  	v16 =	vld [tilespmem:s18+$0xA220]  }
0xdd: {  	v17 =	vld [tilespmem:s18+$0xA230]  }
0xde: {  	v18 =	vld [tilespmem:s18+$0xA240]  }
0xdf: {  	v19 =	vld [tilespmem:s18+$0xA250]  }
0xe0: {  	v20 =	vld [tilespmem:s18+$0xA260];
	_ =	swait.ge [sflag:s16], $0x2000  }
0xe1: {  	[sflag:s16] =	ssyncset.done $0x0  }
0xe2: {  	s19 =	simm.s32 $0x0;
	[sflag:s16] =	ssyncadd.s32 $0xFFFFE000  }
0xe3: {  	v0 =	vadd.f32 v8, v0;
	v1 =	vadd.f32 v9, v1;
	v21 =	vld [tilespmem:s19+$0xC270]  }
0xe4: {  	v2 =	vadd.f32 v10, v2;
	v3 =	vadd.f32 v11, v3;
	v22 =	vld [tilespmem:s19+$0xC200]  }
0xe5: {  	v4 =	vadd.f32 v12, v4;
	v12 =	vld [tilespmem:s19+$0xC210];
	v5 =	vadd.f32 v13, v5  }
0xe6: {  	v8 =	vld [tilespmem:s19+$0xC220];
	v6 =	vadd.f32 v14, v6;
	v7 =	vadd.f32 v15, v7  }
0xe7: {  	v9 =	vld [tilespmem:s19+$0xC230];
	v0 =	vadd.f32 v16, v0;
	v1 =	vadd.f32 v17, v1  }
0xe8: {  	v10 =	vld [tilespmem:s19+$0xC240];
	v2 =	vadd.f32 v18, v2;
	v3 =	vadd.f32 v19, v3  }
0xe9: {  	v11 =	vld [tilespmem:s19+$0xC250];
	v4 =	vadd.f32 v20, v4;
	v5 =	vadd.f32 v21, v5  }
0xea: {  	s18 =	simm.s32 $0x80;
	s8 =	simm.s32 $0x400;
	v6 =	vadd.f32 v22, v6;
	v7 =	vadd.f32 v12, v7;
	v12 =	vld [tilespmem:s19+$0xC260]  }
.LBB2_14:
0xeb: {  	p0 =	sne.s32 s8, $0x7E00;
	v13 =	vld [tilespmem:s18+$0xC270];
	v0 =	vadd.f32 v8, v0  }
0xec: {  	v14 =	vld [tilespmem:s18+$0xC200];
	v1 =	vadd.f32 v9, v1  }
0xed: {  	v15 =	vld [tilespmem:s18+$0xC210];
	v2 =	vadd.f32 v10, v2  }
.Ltmp6:
0xee: {  	v8 =	vld [tilespmem:s18+$0xC220];
	v3 =	vadd.f32 v11, v3;
	(pc) =	sbr.rel @p0 .LBB2_14-.Ltmp6, $4  }
0xef: {  	v9 =	vld [tilespmem:s18+$0xC230];
	v4 =	vadd.f32 v12, v4  }
0xf0: {  	v10 =	vld [tilespmem:s18+$0xC240];
	v5 =	vadd.f32 v13, v5  }
0xf1: {  	v6 =	vadd.f32 v14, v6;
	v11 =	vld [tilespmem:s18+$0xC250]  }
0xf2: {  	v7 =	vadd.f32 v15, v7;
	v12 =	vld [tilespmem:s18+$0xC260];
	s18 =	sshra.s32 s8, $0x2;
	s8 =	sadd.s32 $0x200, s8  }
0xf3: {  	v13 =	vld [tilespmem:s18+$0xC270]  }
0xf4: {  	v14 =	vld [tilespmem:s18+$0xC200]  }
0xf5: {  	v15 =	vld [tilespmem:s18+$0xC210]  }
0xf6: {  	v16 =	vld [tilespmem:s18+$0xC220]  }
0xf7: {  	v17 =	vld [tilespmem:s18+$0xC230]  }
0xf8: {  	v18 =	vld [tilespmem:s18+$0xC240]  }
0xf9: {  	v19 =	vld [tilespmem:s18+$0xC250]  }
0xfa: {  	v20 =	vld [tilespmem:s18+$0xC260];
	_ =	swait.ge [sflag:s6], $0x2000  }
0xfb: {  	[sflag:s6] =	ssyncset.done $0x0  }
0xfc: {  	s19 =	simm.s32 $0x0;
	[sflag:s6] =	ssyncadd.s32 $0xFFFFE000  }
0xfd: {  	v0 =	vadd.f32 v8, v0;
	v1 =	vadd.f32 v9, v1;
	v9 =	vld [tilespmem:s19+$0xE270]  }
0xfe: {  	v2 =	vadd.f32 v10, v2;
	v8 =	vadd.f32 v11, v3;
	v10 =	vld [tilespmem:s19+$0xE200]  }
0xff: {  	v11 =	vadd.f32 v12, v4;
	v12 =	vadd.f32 v13, v5;
	v13 =	vld [tilespmem:s19+$0xE210]  }
0x100: {  	v14 =	vadd.f32 v14, v6;
	v15 =	vadd.f32 v15, v7;
	v6 =	vld [tilespmem:s19+$0xE220]  }
0x101: {  	v5 =	vadd.f32 v16, v0;
	v4 =	vadd.f32 v17, v1;
	v7 =	vld [tilespmem:s19+$0xE230]  }
0x102: {  	v3 =	vadd.f32 v18, v2;
	v2 =	vadd.f32 v19, v8;
	v8 =	vld [tilespmem:s19+$0xE240]  }
0x103: {  	v1 =	vadd.f32 v20, v11;
	v0 =	vadd.f32 v9, v12;
	v9 =	vld [tilespmem:s19+$0xE250]  }
0x104: {  	s18 =	simm.s32 $0x80;
	s8 =	simm.s32 $0x400;
	v10 =	vadd.f32 v10, v14;
	v12 =	vld [tilespmem:s19+$0xE260];
	v11 =	vadd.f32 v13, v15  }
.LBB2_16:
0x105: {  	p0 =	sne.s32 s8, $0x7E00;
	v13 =	vld [tilespmem:s18+$0xE270];
	v5 =	vadd.f32 v6, v5  }
0x106: {  	v14 =	vld [tilespmem:s18+$0xE200];
	v4 =	vadd.f32 v7, v4  }
0x107: {  	v15 =	vld [tilespmem:s18+$0xE210];
	v3 =	vadd.f32 v8, v3  }
.Ltmp7:
0x108: {  	v6 =	vld [tilespmem:s18+$0xE220];
	v2 =	vadd.f32 v9, v2;
	(pc) =	sbr.rel @p0 .LBB2_16-.Ltmp7, $4  }
0x109: {  	v7 =	vld [tilespmem:s18+$0xE230];
	v1 =	vadd.f32 v12, v1  }
0x10a: {  	v8 =	vld [tilespmem:s18+$0xE240];
	v0 =	vadd.f32 v13, v0  }
0x10b: {  	v10 =	vadd.f32 v14, v10;
	v9 =	vld [tilespmem:s18+$0xE250]  }
0x10c: {  	v11 =	vadd.f32 v15, v11;
	v12 =	vld [tilespmem:s18+$0xE260];
	s18 =	sshra.s32 s8, $0x2;
	s8 =	sadd.s32 $0x200, s8  }
0x10d: {  	v14 =	vld [tilespmem:s18+$0xE200]  }
0x10e: {  	v15 =	vld [tilespmem:s18+$0xE210]  }
0x10f: {  	v16 =	vld [tilespmem:s18+$0xE220]  }
0x110: {  	v17 =	vld [tilespmem:s18+$0xE230]  }
0x111: {  	v18 =	vld [tilespmem:s18+$0xE240]  }
0x112: {  	v5 =	vadd.f32 v6, v5;
	v61 =	vld [tilespmem:s18+$0xE250];
	v60 =	vadd.f32 v14, v10  }
0x113: {  	v13 =	vld [tilespmem:s18+$0xE270];
	v4 =	vadd.f32 v7, v4;
	v62 =	vadd.f32 v15, v11  }
0x114: {  	v63 =	vld [tilespmem:s18+$0xE260];
	v3 =	vadd.f32 v8, v3;
	v5 =	vadd.f32 v16, v5;
	[tilespmem:$0x10200] =	vst v60  }
0x115: {  	v2 =	vadd.f32 v9, v2;
	v4 =	vadd.f32 v17, v4;
	[tilespmem:$0x10210] =	vst v62  }
0x116: {  	v3 =	vadd.f32 v18, v3;
	[tilespmem:$0x10220] =	vst v5  }
0x117: {  	v1 =	vadd.f32 v12, v1;
	v2 =	vadd.f32 v61, v2;
	[tilespmem:$0x10230] =	vst v4  }
0x118: {  	v0 =	vadd.f32 v13, v0;
	[tilespmem:$0x10240] =	vst v3  }
0x119: {  	s7 =	sadd.s32 $0x1, s7;
	v1 =	vadd.f32 v63, v1;
	[tilespmem:$0x10250] =	vst v2  }
0x11a: {  	p0 =	sne.s32 s7, s13;
	[tilespmem:$0x10270] =	vst v0  }
.Ltmp8:
0x11b: {  	s8 =	simm.s32 $0x10200;
	[tilespmem:$0x10260] =	vst v1;
	(pc) =	sbr.rel @p0 .LBB2_1-.Ltmp8, $4  }
0x11c: {  	[hbm4b:s12+s3] =	stream.linear.scatter [tilespmem:s8], [sflag:$0x11], $0x80, $0x38;
	[tilespmem:$0x10280] =	vst v63  }
0x11d: {  	_ =	swait.ge [sflag:s17], $0x80  }
0x11e: {  	[sflag:s17] =	ssyncset.done $0x0  }
0x11f: {  	[sflag:s17] =	ssyncadd.s32 $0xFFFFFF80  }
0x120: {  	_ =	sfence.sel $0x180000  }
0x121: {  	[bflag:$0x0] =	sbarrier.arrive $0xFFFF  }
0x122: {  	_ =	strace $0x90000047  }
0x123: {  	s0 =	stileid.u32;
	[bflag:$0x2] =	sbarrier.arrive $0xFFFF  }
0x124: {  	p0 =	sne.s32 s0, $0x0;
	s0 =	rddreg [dreg:$0x3]  }
0x125: {  	s0 =	sadd.s32 @!p0 $0x100000, s0  }
0x126: {  	[sflag:s0] =	ssyncadd.tile.s32 @!p0 $0x1;
	_ =	shalt  }
.Lfunc_end2:
_tile_overlayer_lowered:
.L_overlay_start_2:
0x127: {  	(tag) =	ssettag $0x2  }
0x128: {  	s0 =	rddreg [dreg:$0x0];
	s2 =	stileid.u32  }
0x129: {  	s1 =	rddreg [dreg:$0x1];
	p0 =	sne.s32 s2, $0x0  }
0x12a: {  	s3 =	rddreg [dreg:$0x2];
	[bflag:$0x3] =	sbarrier.arrive $0xFFFF;
	s2 =	simm.s32 @!p0 $0x1C11  }
0x12b: {  	[timem:s3], [sflag:s2] =	dma.local @!p0 [hbm:s0], s1  }
0x12c: {  	s0 =	simm.s32 @!p0 $0x11  }
0x12d: {  	_ =	swait.ge @!p0 [sflag:s0], s1  }
0x12e: {  	s1 =	ssub.s32 @!p0 $0x0, s1;
	[sflag:s0] =	ssyncset.done @!p0 $0x0  }
0x12f: {  	[sflag:s0] =	ssyncadd.s32 @!p0 s1  }
0x130: {  	[bflag:$0x3] =	sbarrier.arrive $0xFFFF  }
0x131: {  	_ =	shalt  }

</sc_bundles>
